<compile_context>
chip_gen: v7x
topology: tpu7x:2x2x1
jax: 0.10.2.dev20260603
libtpu: 0.0.44.dev20260713+nightly
codegen_flags: <defaults>
</compile_context>

<pallas_src>
import jax
import jax.numpy as jnp
from jax import lax
from jax.experimental import pallas as pl
from jax.experimental.pallas import tpu as pltpu
from jax.experimental.pallas import tpu_sc as plsc

_B = 16384
_D = 20
_P = 128
_NC = 2
_NS = 16
_NW = _NC * _NS
_BPW = _B // _NW
_HALF = _BPW // 2
_CHUNK = 128
_EPS2 = 1e-16


def _rsqrt(p):
    i = plsc.bitcast(p, jnp.int32)
    i = jnp.int32(0x5F3759DF) - (i >> 1)
    y = plsc.bitcast(i, jnp.float32)
    for _ in range(3):
        y = y * (1.5 - 0.5 * p * y * y)
    return y


def _body(users, movies, uf, mf, out, idx_u, idx_m, u_rows, m_rows, out_v, sem):
    wid = lax.axis_index("s") * _NC + lax.axis_index("c")
    base = wid * _BPW
    pltpu.sync_copy(users.at[pl.ds(base, _BPW)], idx_u)
    pltpu.sync_copy(movies.at[pl.ds(base, _BPW)], idx_m)

    lanes = lax.iota(jnp.int32, 16)

    for half in range(2):
        copies = []
        for j in range(_HALF // _CHUNK):
            src_sl = pl.ds(half * _HALF + j * _CHUNK, _CHUNK)
            dst_sl = pl.ds(j * _CHUNK, _CHUNK)
            copies.append(pltpu.async_copy(
                uf.at[idx_u.at[src_sl]], u_rows.at[dst_sl], sem))
            copies.append(pltpu.async_copy(
                mf.at[idx_m.at[src_sl]], m_rows.at[dst_sl], sem))
        for c in copies:
            c.wait()

        def group(g, carry):
            rows = g * 16 + lanes
            dot = jnp.zeros((16,), jnp.float32)
            nu = jnp.zeros((16,), jnp.float32)
            nm = jnp.zeros((16,), jnp.float32)
            for d in range(_D):
                col = jnp.full((16,), d, jnp.int32)
                uv = plsc.load_gather(u_rows, [rows, col])
                mv = plsc.load_gather(m_rows, [rows, col])
                dot = dot + uv * mv
                nu = nu + uv * uv
                nm = nm + mv * mv
            p = jnp.maximum(nu, _EPS2) * jnp.maximum(nm, _EPS2)
            out_v[pl.ds(half * _HALF + g * 16, 16)] = dot * _rsqrt(p) * 2.0 + 3.0
            return carry

        lax.fori_loop(0, _HALF // 16, group, 0)

    pltpu.sync_copy(out_v, out.at[pl.ds(base, _BPW)])


def kernel(users, movies, user_factors, movie_factors):
    ufp = jnp.pad(user_factors, ((0, 0), (0, _P - _D)))
    mfp = jnp.pad(movie_factors, ((0, 0), (0, _P - _D)))
    mesh = plsc.VectorSubcoreMesh(
        core_axis_name="c", subcore_axis_name="s",
        num_cores=_NC, num_subcores=_NS)
    f = pl.kernel(
        _body,
        out_type=jax.ShapeDtypeStruct((_B,), jnp.float32),
        mesh=mesh,
        scratch_types=[
            pltpu.VMEM((_BPW,), jnp.int32),
            pltpu.VMEM((_BPW,), jnp.int32),
            pltpu.VMEM((_HALF, _P), jnp.float32),
            pltpu.VMEM((_HALF, _P), jnp.float32),
            pltpu.VMEM((_BPW,), jnp.float32),
            pltpu.SemaphoreType.DMA,
        ],
        compiler_params=pltpu.CompilerParams(needs_layout_passes=False),
    )
    return f(users, movies, ufp, mfp)

# --- scband reference (transcript-rebuilt; emitter-appended) ---
"""Pipeline reference for scband-matrix-factorization-41034117546343 (READ-ONLY COPY).

The authoritative reference and input builder live on the scoring server;
editing this copy changes nothing except your own understanding.
"""

import jax, jax.numpy as jnp
import numpy as np

NUM_USERS = 1000000
NUM_MOVIES = 1000000
NUM_FACTORS = 20
BATCH = 16384
EPS = 1e-8


def setup_inputs(seed: int = 0) -> dict:
    key = jax.random.key(seed)
    k1, k2, k3, k4 = jax.random.split(key, 4)
    users = jax.random.randint(k1, (BATCH,), 0, NUM_USERS, dtype=jnp.int64 if jax.config.jax_enable_x64 else jnp.int32).astype(jnp.int32)
    movies = jax.random.randint(k2, (BATCH,), 0, NUM_MOVIES, dtype=jnp.int64 if jax.config.jax_enable_x64 else jnp.int32).astype(jnp.int32)
    # torch.nn.Embedding default init: N(0, 1)
    user_factors = jax.random.normal(k3, (NUM_USERS, NUM_FACTORS), dtype=jnp.float32)
    movie_factors = jax.random.normal(k4, (NUM_MOVIES, NUM_FACTORS), dtype=jnp.float32)
    return {
        "users": users,
        "movies": movies,
        "user_factors": user_factors,
        "movie_factors": movie_factors,
    }


def _cosine_similarity(a, b, eps=EPS):
    # Faithful to torch.nn.CosineSimilarity(dim=1, eps=1e-8):
    # cos = sum(a*b) / (max(||a||, eps) * max(||b||, eps))
    dot = jnp.sum(a * b, axis=1)
    na = jnp.maximum(jnp.linalg.norm(a, axis=1), eps)
    nb = jnp.maximum(jnp.linalg.norm(b, axis=1), eps)
    return dot / (na * nb)


def reference(users, movies, user_factors, movie_factors):
    u = jnp.take(user_factors, users, axis=0)   # embedding lookup [B, 20]
    m = jnp.take(movie_factors, movies, axis=0)  # embedding lookup [B, 20]
    return _cosine_similarity(u, m) * 2.0 + 3.0

if __name__ == "__main__":
    import jax
    _d = setup_inputs()
    print(jax.jit(kernel)(*tuple(_d.values())))

</pallas_src>

<mosaic_0001>
#map = affine_map<(d0, d1) -> (0)>
#map1 = affine_map<(d0, d1) -> (0, 0)>
module attributes {stable_mosaic.version = 14 : i64} {
  func.func @_body(%arg0: i32, %arg1: i32, %arg2: memref<16384xi32, #tpu.memory_space<hbm>>, %arg3: memref<16384xi32, #tpu.memory_space<hbm>>, %arg4: memref<1000000x128xf32, #tpu.memory_space<hbm>>, %arg5: memref<1000000x128xf32, #tpu.memory_space<hbm>>, %arg6: memref<16384xf32, #tpu.memory_space<hbm>>, %arg7: memref<512xi32, #tpu.memory_space<vmem>>, %arg8: memref<512xi32, #tpu.memory_space<vmem>>, %arg9: memref<256x128xf32, #tpu.memory_space<vmem>>, %arg10: memref<256x128xf32, #tpu.memory_space<vmem>>, %arg11: memref<512xf32, #tpu.memory_space<vmem>>, %arg12: memref<!tpu.dma_semaphore, #tpu.memory_space<semaphore_mem>>) attributes {dimension_semantics = [#tpu.dimension_semantics<core_parallel>, #tpu.dimension_semantics<subcore_parallel>], iteration_bounds = array<i64: 2, 16>, scalar_prefetch = 0 : i64, scratch_operands = 6 : i64, tpu.core_type = #tpu.core_type<sc_vector_subcore>, window_params = [{transform_indices = #map}, {transform_indices = #map}, {transform_indices = #map1}, {transform_indices = #map1}, {transform_indices = #map}]} {
    %mul3A = arith.constant 2 : i32
    %mul3A_0 = arith.muli %arg1, %mul3A : i32
    %add3A = arith.addi %mul3A_0, %arg0 : i32
    %mul3A_1 = arith.constant 512 : i32
    %mul3A_2 = arith.muli %add3A, %mul3A_1 : i32
    "tpu.region"() ({
      %run_scoped3A = tpu.sem_alloc : memref<!tpu.dma_semaphore, #tpu.memory_space<semaphore_mem>>
      %dma_start3A_140 = tpu.memref_slice %arg2[%mul3A_2] : memref<16384xi32, #tpu.memory_space<hbm>> -> memref<512xi32, #tpu.memory_space<hbm>>
      %dma_start3A_141 = tpu.memref_slice %arg2[%mul3A_2] : memref<16384xi32, #tpu.memory_space<hbm>> -> memref<512xi32, #tpu.memory_space<hbm>>
      tpu.enqueue_dma source(%dma_start3A_141 : memref<512xi32, #tpu.memory_space<hbm>>) target(%arg7 : memref<512xi32, #tpu.memory_space<vmem>>) target_semaphore(%run_scoped3A : memref<!tpu.dma_semaphore, #tpu.memory_space<semaphore_mem>>)
      %dma_wait3A_142 = tpu.memref_slice %arg2[%mul3A_2] : memref<16384xi32, #tpu.memory_space<hbm>> -> memref<512xi32, #tpu.memory_space<hbm>>
      %dma_wait3A_143 = tpu.memref_slice %arg2[%mul3A_2] : memref<16384xi32, #tpu.memory_space<hbm>> -> memref<512xi32, #tpu.memory_space<hbm>>
      tpu.wait_dma2 semaphore(%run_scoped3A : memref<!tpu.dma_semaphore, #tpu.memory_space<semaphore_mem>>) src(%dma_wait3A_143 : memref<512xi32, #tpu.memory_space<hbm>>) dst(%arg7 : memref<512xi32, #tpu.memory_space<vmem>>)
      tpu.yield
    }) : () -> ()
    "tpu.region"() ({
      %run_scoped3A = tpu.sem_alloc : memref<!tpu.dma_semaphore, #tpu.memory_space<semaphore_mem>>
      %dma_start3A_140 = tpu.memref_slice %arg3[%mul3A_2] : memref<16384xi32, #tpu.memory_space<hbm>> -> memref<512xi32, #tpu.memory_space<hbm>>
      %dma_start3A_141 = tpu.memref_slice %arg3[%mul3A_2] : memref<16384xi32, #tpu.memory_space<hbm>> -> memref<512xi32, #tpu.memory_space<hbm>>
      tpu.enqueue_dma source(%dma_start3A_141 : memref<512xi32, #tpu.memory_space<hbm>>) target(%arg8 : memref<512xi32, #tpu.memory_space<vmem>>) target_semaphore(%run_scoped3A : memref<!tpu.dma_semaphore, #tpu.memory_space<semaphore_mem>>)
      %dma_wait3A_142 = tpu.memref_slice %arg3[%mul3A_2] : memref<16384xi32, #tpu.memory_space<hbm>> -> memref<512xi32, #tpu.memory_space<hbm>>
      %dma_wait3A_143 = tpu.memref_slice %arg3[%mul3A_2] : memref<16384xi32, #tpu.memory_space<hbm>> -> memref<512xi32, #tpu.memory_space<hbm>>
      tpu.wait_dma2 semaphore(%run_scoped3A : memref<!tpu.dma_semaphore, #tpu.memory_space<semaphore_mem>>) src(%dma_wait3A_143 : memref<512xi32, #tpu.memory_space<hbm>>) dst(%arg8 : memref<512xi32, #tpu.memory_space<vmem>>)
      tpu.yield
    }) : () -> ()
    %iota3A = tpu.iota {dimensions = array<i32: 0>} : vector<16xi32>
    %dma_start3A = arith.constant 0 : i32
    %dma_start3A_3 = arith.constant 0 : i32
    %dma_start3A_4 = tpu.memref_slice %arg9[%dma_start3A, %dma_start3A_3] : memref<256x128xf32, #tpu.memory_space<vmem>> -> memref<128x128xf32, #tpu.memory_space<vmem>>
    %dma_start3A_5 = arith.constant 0 : i32
    %dma_start3A_6 = tpu.memref_slice %arg7[%dma_start3A_5] : memref<512xi32, #tpu.memory_space<vmem>> -> memref<128xi32, #tpu.memory_space<vmem>>
    %dma_start3A_7 = arith.constant 0 : i32
    %dma_start3A_8 = arith.constant 0 : i32
    %dma_start3A_9 = tpu.memref_slice %arg4[%dma_start3A_7, %dma_start3A_8] : memref<1000000x128xf32, #tpu.memory_space<hbm>> -> memref<1000000x128xf32, #tpu.memory_space<hbm>>
    tpu.enqueue_indirect_dma source(%dma_start3A_9 : memref<1000000x128xf32, #tpu.memory_space<hbm>>) target(%dma_start3A_4 : memref<128x128xf32, #tpu.memory_space<vmem>>) offsets(%dma_start3A_6 : memref<128xi32, #tpu.memory_space<vmem>>) semaphore(%arg12 : memref<!tpu.dma_semaphore, #tpu.memory_space<semaphore_mem>>)
    %dma_start3A_10 = arith.constant 0 : i32
    %dma_start3A_11 = arith.constant 0 : i32
    %dma_start3A_12 = tpu.memref_slice %arg10[%dma_start3A_10, %dma_start3A_11] : memref<256x128xf32, #tpu.memory_space<vmem>> -> memref<128x128xf32, #tpu.memory_space<vmem>>
    %dma_start3A_13 = arith.constant 0 : i32
    %dma_start3A_14 = tpu.memref_slice %arg8[%dma_start3A_13] : memref<512xi32, #tpu.memory_space<vmem>> -> memref<128xi32, #tpu.memory_space<vmem>>
    %dma_start3A_15 = arith.constant 0 : i32
    %dma_start3A_16 = arith.constant 0 : i32
    %dma_start3A_17 = tpu.memref_slice %arg5[%dma_start3A_15, %dma_start3A_16] : memref<1000000x128xf32, #tpu.memory_space<hbm>> -> memref<1000000x128xf32, #tpu.memory_space<hbm>>
    tpu.enqueue_indirect_dma source(%dma_start3A_17 : memref<1000000x128xf32, #tpu.memory_space<hbm>>) target(%dma_start3A_12 : memref<128x128xf32, #tpu.memory_space<vmem>>) offsets(%dma_start3A_14 : memref<128xi32, #tpu.memory_space<vmem>>) semaphore(%arg12 : memref<!tpu.dma_semaphore, #tpu.memory_space<semaphore_mem>>)
    %dma_start3A_18 = arith.constant 128 : i32
    %dma_start3A_19 = arith.constant 0 : i32
    %dma_start3A_20 = tpu.memref_slice %arg9[%dma_start3A_18, %dma_start3A_19] : memref<256x128xf32, #tpu.memory_space<vmem>> -> memref<128x128xf32, #tpu.memory_space<vmem>>
    %dma_start3A_21 = arith.constant 128 : i32
    %dma_start3A_22 = tpu.memref_slice %arg7[%dma_start3A_21] : memref<512xi32, #tpu.memory_space<vmem>> -> memref<128xi32, #tpu.memory_space<vmem>>
    %dma_start3A_23 = arith.constant 0 : i32
    %dma_start3A_24 = arith.constant 0 : i32
    %dma_start3A_25 = tpu.memref_slice %arg4[%dma_start3A_23, %dma_start3A_24] : memref<1000000x128xf32, #tpu.memory_space<hbm>> -> memref<1000000x128xf32, #tpu.memory_space<hbm>>
    tpu.enqueue_indirect_dma source(%dma_start3A_25 : memref<1000000x128xf32, #tpu.memory_space<hbm>>) target(%dma_start3A_20 : memref<128x128xf32, #tpu.memory_space<vmem>>) offsets(%dma_start3A_22 : memref<128xi32, #tpu.memory_space<vmem>>) semaphore(%arg12 : memref<!tpu.dma_semaphore, #tpu.memory_space<semaphore_mem>>)
    %dma_start3A_26 = arith.constant 128 : i32
    %dma_start3A_27 = arith.constant 0 : i32
    %dma_start3A_28 = tpu.memref_slice %arg10[%dma_start3A_26, %dma_start3A_27] : memref<256x128xf32, #tpu.memory_space<vmem>> -> memref<128x128xf32, #tpu.memory_space<vmem>>
    %dma_start3A_29 = arith.constant 128 : i32
    %dma_start3A_30 = tpu.memref_slice %arg8[%dma_start3A_29] : memref<512xi32, #tpu.memory_space<vmem>> -> memref<128xi32, #tpu.memory_space<vmem>>
    %dma_start3A_31 = arith.constant 0 : i32
    %dma_start3A_32 = arith.constant 0 : i32
    %dma_start3A_33 = tpu.memref_slice %arg5[%dma_start3A_31, %dma_start3A_32] : memref<1000000x128xf32, #tpu.memory_space<hbm>> -> memref<1000000x128xf32, #tpu.memory_space<hbm>>
    tpu.enqueue_indirect_dma source(%dma_start3A_33 : memref<1000000x128xf32, #tpu.memory_space<hbm>>) target(%dma_start3A_28 : memref<128x128xf32, #tpu.memory_space<vmem>>) offsets(%dma_start3A_30 : memref<128xi32, #tpu.memory_space<vmem>>) semaphore(%arg12 : memref<!tpu.dma_semaphore, #tpu.memory_space<semaphore_mem>>)
    %dma_wait3A = arith.constant 0 : i32
    %dma_wait3A_34 = arith.constant 0 : i32
    %dma_wait3A_35 = tpu.memref_slice %arg9[%dma_wait3A, %dma_wait3A_34] : memref<256x128xf32, #tpu.memory_space<vmem>> -> memref<128x128xf32, #tpu.memory_space<vmem>>
    %dma_wait3A_36 = arith.constant 0 : i32
    %dma_wait3A_37 = tpu.memref_slice %arg7[%dma_wait3A_36] : memref<512xi32, #tpu.memory_space<vmem>> -> memref<128xi32, #tpu.memory_space<vmem>>
    %dma_wait3A_38 = arith.constant 0 : i32
    %dma_wait3A_39 = arith.constant 0 : i32
    %dma_wait3A_40 = tpu.memref_slice %arg4[%dma_wait3A_38, %dma_wait3A_39] : memref<1000000x128xf32, #tpu.memory_space<hbm>> -> memref<1000000x128xf32, #tpu.memory_space<hbm>>
    tpu.wait_indirect_dma semaphore(%arg12 : memref<!tpu.dma_semaphore, #tpu.memory_space<semaphore_mem>>) src(%dma_wait3A_40 : memref<1000000x128xf32, #tpu.memory_space<hbm>>) dst(%dma_wait3A_35 : memref<128x128xf32, #tpu.memory_space<vmem>>)
    %dma_wait3A_41 = arith.constant 0 : i32
    %dma_wait3A_42 = arith.constant 0 : i32
    %dma_wait3A_43 = tpu.memref_slice %arg10[%dma_wait3A_41, %dma_wait3A_42] : memref<256x128xf32, #tpu.memory_space<vmem>> -> memref<128x128xf32, #tpu.memory_space<vmem>>
    %dma_wait3A_44 = arith.constant 0 : i32
    %dma_wait3A_45 = tpu.memref_slice %arg8[%dma_wait3A_44] : memref<512xi32, #tpu.memory_space<vmem>> -> memref<128xi32, #tpu.memory_space<vmem>>
    %dma_wait3A_46 = arith.constant 0 : i32
    %dma_wait3A_47 = arith.constant 0 : i32
    %dma_wait3A_48 = tpu.memref_slice %arg5[%dma_wait3A_46, %dma_wait3A_47] : memref<1000000x128xf32, #tpu.memory_space<hbm>> -> memref<1000000x128xf32, #tpu.memory_space<hbm>>
    tpu.wait_indirect_dma semaphore(%arg12 : memref<!tpu.dma_semaphore, #tpu.memory_space<semaphore_mem>>) src(%dma_wait3A_48 : memref<1000000x128xf32, #tpu.memory_space<hbm>>) dst(%dma_wait3A_43 : memref<128x128xf32, #tpu.memory_space<vmem>>)
    %dma_wait3A_49 = arith.constant 128 : i32
    %dma_wait3A_50 = arith.constant 0 : i32
    %dma_wait3A_51 = tpu.memref_slice %arg9[%dma_wait3A_49, %dma_wait3A_50] : memref<256x128xf32, #tpu.memory_space<vmem>> -> memref<128x128xf32, #tpu.memory_space<vmem>>
    %dma_wait3A_52 = arith.constant 128 : i32
    %dma_wait3A_53 = tpu.memref_slice %arg7[%dma_wait3A_52] : memref<512xi32, #tpu.memory_space<vmem>> -> memref<128xi32, #tpu.memory_space<vmem>>
    %dma_wait3A_54 = arith.constant 0 : i32
    %dma_wait3A_55 = arith.constant 0 : i32
    %dma_wait3A_56 = tpu.memref_slice %arg4[%dma_wait3A_54, %dma_wait3A_55] : memref<1000000x128xf32, #tpu.memory_space<hbm>> -> memref<1000000x128xf32, #tpu.memory_space<hbm>>
    tpu.wait_indirect_dma semaphore(%arg12 : memref<!tpu.dma_semaphore, #tpu.memory_space<semaphore_mem>>) src(%dma_wait3A_56 : memref<1000000x128xf32, #tpu.memory_space<hbm>>) dst(%dma_wait3A_51 : memref<128x128xf32, #tpu.memory_space<vmem>>)
    %dma_wait3A_57 = arith.constant 128 : i32
    %dma_wait3A_58 = arith.constant 0 : i32
    %dma_wait3A_59 = tpu.memref_slice %arg10[%dma_wait3A_57, %dma_wait3A_58] : memref<256x128xf32, #tpu.memory_space<vmem>> -> memref<128x128xf32, #tpu.memory_space<vmem>>
    %dma_wait3A_60 = arith.constant 128 : i32
    %dma_wait3A_61 = tpu.memref_slice %arg8[%dma_wait3A_60] : memref<512xi32, #tpu.memory_space<vmem>> -> memref<128xi32, #tpu.memory_space<vmem>>
    %dma_wait3A_62 = arith.constant 0 : i32
    %dma_wait3A_63 = arith.constant 0 : i32
    %dma_wait3A_64 = tpu.memref_slice %arg5[%dma_wait3A_62, %dma_wait3A_63] : memref<1000000x128xf32, #tpu.memory_space<hbm>> -> memref<1000000x128xf32, #tpu.memory_space<hbm>>
    tpu.wait_indirect_dma semaphore(%arg12 : memref<!tpu.dma_semaphore, #tpu.memory_space<semaphore_mem>>) src(%dma_wait3A_64 : memref<1000000x128xf32, #tpu.memory_space<hbm>>) dst(%dma_wait3A_59 : memref<128x128xf32, #tpu.memory_space<vmem>>)
    %scan3A = arith.constant 0 : i32
    %scan3A_65 = arith.constant 0 : i32
    %scan3A_66 = arith.constant 16 : i32
    %scan3A_67 = arith.addi %scan3A_65, %scan3A_66 : i32
    %scan3A_68 = arith.constant 1 : i32
    scf.for %scan3A_140 = %scan3A_65 to %scan3A_67 step %scan3A_68  : i32 {
      %mul3A_141 = arith.constant 16 : i32
      %mul3A_142 = arith.muli %scan3A_140, %mul3A_141 : i32
      %add3A_143 = vector.broadcast %mul3A_142 : i32 to vector<16xi32>
      %add3A_144 = arith.addi %add3A_143, %iota3A : vector<16xi32>
      %broadcast_in_dim3A = arith.constant 0.000000e+00 : f32
      %broadcast_in_dim3A_145 = vector.broadcast %broadcast_in_dim3A : f32 to vector<16xf32>
      %broadcast_in_dim3A_146 = arith.constant 0.000000e+00 : f32
      %broadcast_in_dim3A_147 = vector.broadcast %broadcast_in_dim3A_146 : f32 to vector<16xf32>
      %broadcast_in_dim3A_148 = arith.constant 0.000000e+00 : f32
      %broadcast_in_dim3A_149 = vector.broadcast %broadcast_in_dim3A_148 : f32 to vector<16xf32>
      %broadcast_in_dim3A_150 = arith.constant 0 : i32
      %broadcast_in_dim3A_151 = vector.broadcast %broadcast_in_dim3A_150 : i32 to vector<16xi32>
      %gather3A = tpu.vector_load_idx %arg9[%add3A_144, %broadcast_in_dim3A_151] : memref<256x128xf32, #tpu.memory_space<vmem>>[vector<16xi32>, vector<16xi32>], vector<16xf32>,
      %gather3A_152 = tpu.vector_load_idx %arg10[%add3A_144, %broadcast_in_dim3A_151] : memref<256x128xf32, #tpu.memory_space<vmem>>[vector<16xi32>, vector<16xi32>], vector<16xf32>,
      %mul3A_153 = arith.mulf %gather3A, %gather3A_152 : vector<16xf32>
      %add3A_154 = arith.addf %broadcast_in_dim3A_145, %mul3A_153 : vector<16xf32>
      %mul3A_155 = arith.mulf %gather3A, %gather3A : vector<16xf32>
      %add3A_156 = arith.addf %broadcast_in_dim3A_147, %mul3A_155 : vector<16xf32>
      %mul3A_157 = arith.mulf %gather3A_152, %gather3A_152 : vector<16xf32>
      %add3A_158 = arith.addf %broadcast_in_dim3A_149, %mul3A_157 : vector<16xf32>
      %broadcast_in_dim3A_159 = arith.constant 1 : i32
      %broadcast_in_dim3A_160 = vector.broadcast %broadcast_in_dim3A_159 : i32 to vector<16xi32>
      %gather3A_161 = tpu.vector_load_idx %arg9[%add3A_144, %broadcast_in_dim3A_160] : memref<256x128xf32, #tpu.memory_space<vmem>>[vector<16xi32>, vector<16xi32>], vector<16xf32>,
      %gather3A_162 = tpu.vector_load_idx %arg10[%add3A_144, %broadcast_in_dim3A_160] : memref<256x128xf32, #tpu.memory_space<vmem>>[vector<16xi32>, vector<16xi32>], vector<16xf32>,
      %mul3A_163 = arith.mulf %gather3A_161, %gather3A_162 : vector<16xf32>
      %add3A_164 = arith.addf %add3A_154, %mul3A_163 : vector<16xf32>
      %mul3A_165 = arith.mulf %gather3A_161, %gather3A_161 : vector<16xf32>
      %add3A_166 = arith.addf %add3A_156, %mul3A_165 : vector<16xf32>
      %mul3A_167 = arith.mulf %gather3A_162, %gather3A_162 : vector<16xf32>
      %add3A_168 = arith.addf %add3A_158, %mul3A_167 : vector<16xf32>
      %broadcast_in_dim3A_169 = arith.constant 2 : i32
      %broadcast_in_dim3A_170 = vector.broadcast %broadcast_in_dim3A_169 : i32 to vector<16xi32>
      %gather3A_171 = tpu.vector_load_idx %arg9[%add3A_144, %broadcast_in_dim3A_170] : memref<256x128xf32, #tpu.memory_space<vmem>>[vector<16xi32>, vector<16xi32>], vector<16xf32>,
      %gather3A_172 = tpu.vector_load_idx %arg10[%add3A_144, %broadcast_in_dim3A_170] : memref<256x128xf32, #tpu.memory_space<vmem>>[vector<16xi32>, vector<16xi32>], vector<16xf32>,
      %mul3A_173 = arith.mulf %gather3A_171, %gather3A_172 : vector<16xf32>
      %add3A_174 = arith.addf %add3A_164, %mul3A_173 : vector<16xf32>
      %mul3A_175 = arith.mulf %gather3A_171, %gather3A_171 : vector<16xf32>
      %add3A_176 = arith.addf %add3A_166, %mul3A_175 : vector<16xf32>
      %mul3A_177 = arith.mulf %gather3A_172, %gather3A_172 : vector<16xf32>
      %add3A_178 = arith.addf %add3A_168, %mul3A_177 : vector<16xf32>
      %broadcast_in_dim3A_179 = arith.constant 3 : i32
      %broadcast_in_dim3A_180 = vector.broadcast %broadcast_in_dim3A_179 : i32 to vector<16xi32>
      %gather3A_181 = tpu.vector_load_idx %arg9[%add3A_144, %broadcast_in_dim3A_180] : memref<256x128xf32, #tpu.memory_space<vmem>>[vector<16xi32>, vector<16xi32>], vector<16xf32>,
      %gather3A_182 = tpu.vector_load_idx %arg10[%add3A_144, %broadcast_in_dim3A_180] : memref<256x128xf32, #tpu.memory_space<vmem>>[vector<16xi32>, vector<16xi32>], vector<16xf32>,
      %mul3A_183 = arith.mulf %gather3A_181, %gather3A_182 : vector<16xf32>
      %add3A_184 = arith.addf %add3A_174, %mul3A_183 : vector<16xf32>
      %mul3A_185 = arith.mulf %gather3A_181, %gather3A_181 : vector<16xf32>
      %add3A_186 = arith.addf %add3A_176, %mul3A_185 : vector<16xf32>
      %mul3A_187 = arith.mulf %gather3A_182, %gather3A_182 : vector<16xf32>
      %add3A_188 = arith.addf %add3A_178, %mul3A_187 : vector<16xf32>
      %broadcast_in_dim3A_189 = arith.constant 4 : i32
      %broadcast_in_dim3A_190 = vector.broadcast %broadcast_in_dim3A_189 : i32 to vector<16xi32>
      %gather3A_191 = tpu.vector_load_idx %arg9[%add3A_144, %broadcast_in_dim3A_190] : memref<256x128xf32, #tpu.memory_space<vmem>>[vector<16xi32>, vector<16xi32>], vector<16xf32>,
      %gather3A_192 = tpu.vector_load_idx %arg10[%add3A_144, %broadcast_in_dim3A_190] : memref<256x128xf32, #tpu.memory_space<vmem>>[vector<16xi32>, vector<16xi32>], vector<16xf32>,
      %mul3A_193 = arith.mulf %gather3A_191, %gather3A_192 : vector<16xf32>
      %add3A_194 = arith.addf %add3A_184, %mul3A_193 : vector<16xf32>
      %mul3A_195 = arith.mulf %gather3A_191, %gather3A_191 : vector<16xf32>
      %add3A_196 = arith.addf %add3A_186, %mul3A_195 : vector<16xf32>
      %mul3A_197 = arith.mulf %gather3A_192, %gather3A_192 : vector<16xf32>
      %add3A_198 = arith.addf %add3A_188, %mul3A_197 : vector<16xf32>
      %broadcast_in_dim3A_199 = arith.constant 5 : i32
      %broadcast_in_dim3A_200 = vector.broadcast %broadcast_in_dim3A_199 : i32 to vector<16xi32>
      %gather3A_201 = tpu.vector_load_idx %arg9[%add3A_144, %broadcast_in_dim3A_200] : memref<256x128xf32, #tpu.memory_space<vmem>>[vector<16xi32>, vector<16xi32>], vector<16xf32>,
      %gather3A_202 = tpu.vector_load_idx %arg10[%add3A_144, %broadcast_in_dim3A_200] : memref<256x128xf32, #tpu.memory_space<vmem>>[vector<16xi32>, vector<16xi32>], vector<16xf32>,
      %mul3A_203 = arith.mulf %gather3A_201, %gather3A_202 : vector<16xf32>
      %add3A_204 = arith.addf %add3A_194, %mul3A_203 : vector<16xf32>
      %mul3A_205 = arith.mulf %gather3A_201, %gather3A_201 : vector<16xf32>
      %add3A_206 = arith.addf %add3A_196, %mul3A_205 : vector<16xf32>
      %mul3A_207 = arith.mulf %gather3A_202, %gather3A_202 : vector<16xf32>
      %add3A_208 = arith.addf %add3A_198, %mul3A_207 : vector<16xf32>
      %broadcast_in_dim3A_209 = arith.constant 6 : i32
      %broadcast_in_dim3A_210 = vector.broadcast %broadcast_in_dim3A_209 : i32 to vector<16xi32>
      %gather3A_211 = tpu.vector_load_idx %arg9[%add3A_144, %broadcast_in_dim3A_210] : memref<256x128xf32, #tpu.memory_space<vmem>>[vector<16xi32>, vector<16xi32>], vector<16xf32>,
      %gather3A_212 = tpu.vector_load_idx %arg10[%add3A_144, %broadcast_in_dim3A_210] : memref<256x128xf32, #tpu.memory_space<vmem>>[vector<16xi32>, vector<16xi32>], vector<16xf32>,
      %mul3A_213 = arith.mulf %gather3A_211, %gather3A_212 : vector<16xf32>
      %add3A_214 = arith.addf %add3A_204, %mul3A_213 : vector<16xf32>
      %mul3A_215 = arith.mulf %gather3A_211, %gather3A_211 : vector<16xf32>
      %add3A_216 = arith.addf %add3A_206, %mul3A_215 : vector<16xf32>
      %mul3A_217 = arith.mulf %gather3A_212, %gather3A_212 : vector<16xf32>
      %add3A_218 = arith.addf %add3A_208, %mul3A_217 : vector<16xf32>
      %broadcast_in_dim3A_219 = arith.constant 7 : i32
      %broadcast_in_dim3A_220 = vector.broadcast %broadcast_in_dim3A_219 : i32 to vector<16xi32>
      %gather3A_221 = tpu.vector_load_idx %arg9[%add3A_144, %broadcast_in_dim3A_220] : memref<256x128xf32, #tpu.memory_space<vmem>>[vector<16xi32>, vector<16xi32>], vector<16xf32>,
      %gather3A_222 = tpu.vector_load_idx %arg10[%add3A_144, %broadcast_in_dim3A_220] : memref<256x128xf32, #tpu.memory_space<vmem>>[vector<16xi32>, vector<16xi32>], vector<16xf32>,
      %mul3A_223 = arith.mulf %gather3A_221, %gather3A_222 : vector<16xf32>
      %add3A_224 = arith.addf %add3A_214, %mul3A_223 : vector<16xf32>
      %mul3A_225 = arith.mulf %gather3A_221, %gather3A_221 : vector<16xf32>
      %add3A_226 = arith.addf %add3A_216, %mul3A_225 : vector<16xf32>
      %mul3A_227 = arith.mulf %gather3A_222, %gather3A_222 : vector<16xf32>
      %add3A_228 = arith.addf %add3A_218, %mul3A_227 : vector<16xf32>
      %broadcast_in_dim3A_229 = arith.constant 8 : i32
      %broadcast_in_dim3A_230 = vector.broadcast %broadcast_in_dim3A_229 : i32 to vector<16xi32>
      %gather3A_231 = tpu.vector_load_idx %arg9[%add3A_144, %broadcast_in_dim3A_230] : memref<256x128xf32, #tpu.memory_space<vmem>>[vector<16xi32>, vector<16xi32>], vector<16xf32>,
      %gather3A_232 = tpu.vector_load_idx %arg10[%add3A_144, %broadcast_in_dim3A_230] : memref<256x128xf32, #tpu.memory_space<vmem>>[vector<16xi32>, vector<16xi32>], vector<16xf32>,
      %mul3A_233 = arith.mulf %gather3A_231, %gather3A_232 : vector<16xf32>
      %add3A_234 = arith.addf %add3A_224, %mul3A_233 : vector<16xf32>
      %mul3A_235 = arith.mulf %gather3A_231, %gather3A_231 : vector<16xf32>
      %add3A_236 = arith.addf %add3A_226, %mul3A_235 : vector<16xf32>
      %mul3A_237 = arith.mulf %gather3A_232, %gather3A_232 : vector<16xf32>
      %add3A_238 = arith.addf %add3A_228, %mul3A_237 : vector<16xf32>
      %broadcast_in_dim3A_239 = arith.constant 9 : i32
      %broadcast_in_dim3A_240 = vector.broadcast %broadcast_in_dim3A_239 : i32 to vector<16xi32>
      %gather3A_241 = tpu.vector_load_idx %arg9[%add3A_144, %broadcast_in_dim3A_240] : memref<256x128xf32, #tpu.memory_space<vmem>>[vector<16xi32>, vector<16xi32>], vector<16xf32>,
      %gather3A_242 = tpu.vector_load_idx %arg10[%add3A_144, %broadcast_in_dim3A_240] : memref<256x128xf32, #tpu.memory_space<vmem>>[vector<16xi32>, vector<16xi32>], vector<16xf32>,
      %mul3A_243 = arith.mulf %gather3A_241, %gather3A_242 : vector<16xf32>
      %add3A_244 = arith.addf %add3A_234, %mul3A_243 : vector<16xf32>
      %mul3A_245 = arith.mulf %gather3A_241, %gather3A_241 : vector<16xf32>
      %add3A_246 = arith.addf %add3A_236, %mul3A_245 : vector<16xf32>
      %mul3A_247 = arith.mulf %gather3A_242, %gather3A_242 : vector<16xf32>
      %add3A_248 = arith.addf %add3A_238, %mul3A_247 : vector<16xf32>
      %broadcast_in_dim3A_249 = arith.constant 10 : i32
      %broadcast_in_dim3A_250 = vector.broadcast %broadcast_in_dim3A_249 : i32 to vector<16xi32>
      %gather3A_251 = tpu.vector_load_idx %arg9[%add3A_144, %broadcast_in_dim3A_250] : memref<256x128xf32, #tpu.memory_space<vmem>>[vector<16xi32>, vector<16xi32>], vector<16xf32>,
      %gather3A_252 = tpu.vector_load_idx %arg10[%add3A_144, %broadcast_in_dim3A_250] : memref<256x128xf32, #tpu.memory_space<vmem>>[vector<16xi32>, vector<16xi32>], vector<16xf32>,
      %mul3A_253 = arith.mulf %gather3A_251, %gather3A_252 : vector<16xf32>
      %add3A_254 = arith.addf %add3A_244, %mul3A_253 : vector<16xf32>
      %mul3A_255 = arith.mulf %gather3A_251, %gather3A_251 : vector<16xf32>
      %add3A_256 = arith.addf %add3A_246, %mul3A_255 : vector<16xf32>
      %mul3A_257 = arith.mulf %gather3A_252, %gather3A_252 : vector<16xf32>
      %add3A_258 = arith.addf %add3A_248, %mul3A_257 : vector<16xf32>
      %broadcast_in_dim3A_259 = arith.constant 11 : i32
      %broadcast_in_dim3A_260 = vector.broadcast %broadcast_in_dim3A_259 : i32 to vector<16xi32>
      %gather3A_261 = tpu.vector_load_idx %arg9[%add3A_144, %broadcast_in_dim3A_260] : memref<256x128xf32, #tpu.memory_space<vmem>>[vector<16xi32>, vector<16xi32>], vector<16xf32>,
      %gather3A_262 = tpu.vector_load_idx %arg10[%add3A_144, %broadcast_in_dim3A_260] : memref<256x128xf32, #tpu.memory_space<vmem>>[vector<16xi32>, vector<16xi32>], vector<16xf32>,
      %mul3A_263 = arith.mulf %gather3A_261, %gather3A_262 : vector<16xf32>
      %add3A_264 = arith.addf %add3A_254, %mul3A_263 : vector<16xf32>
      %mul3A_265 = arith.mulf %gather3A_261, %gather3A_261 : vector<16xf32>
      %add3A_266 = arith.addf %add3A_256, %mul3A_265 : vector<16xf32>
      %mul3A_267 = arith.mulf %gather3A_262, %gather3A_262 : vector<16xf32>
      %add3A_268 = arith.addf %add3A_258, %mul3A_267 : vector<16xf32>
      %broadcast_in_dim3A_269 = arith.constant 12 : i32
      %broadcast_in_dim3A_270 = vector.broadcast %broadcast_in_dim3A_269 : i32 to vector<16xi32>
      %gather3A_271 = tpu.vector_load_idx %arg9[%add3A_144, %broadcast_in_dim3A_270] : memref<256x128xf32, #tpu.memory_space<vmem>>[vector<16xi32>, vector<16xi32>], vector<16xf32>,
      %gather3A_272 = tpu.vector_load_idx %arg10[%add3A_144, %broadcast_in_dim3A_270] : memref<256x128xf32, #tpu.memory_space<vmem>>[vector<16xi32>, vector<16xi32>], vector<16xf32>,
      %mul3A_273 = arith.mulf %gather3A_271, %gather3A_272 : vector<16xf32>
      %add3A_274 = arith.addf %add3A_264, %mul3A_273 : vector<16xf32>
      %mul3A_275 = arith.mulf %gather3A_271, %gather3A_271 : vector<16xf32>
      %add3A_276 = arith.addf %add3A_266, %mul3A_275 : vector<16xf32>
      %mul3A_277 = arith.mulf %gather3A_272, %gather3A_272 : vector<16xf32>
      %add3A_278 = arith.addf %add3A_268, %mul3A_277 : vector<16xf32>
      %broadcast_in_dim3A_279 = arith.constant 13 : i32
      %broadcast_in_dim3A_280 = vector.broadcast %broadcast_in_dim3A_279 : i32 to vector<16xi32>
      %gather3A_281 = tpu.vector_load_idx %arg9[%add3A_144, %broadcast_in_dim3A_280] : memref<256x128xf32, #tpu.memory_space<vmem>>[vector<16xi32>, vector<16xi32>], vector<16xf32>,
      %gather3A_282 = tpu.vector_load_idx %arg10[%add3A_144, %broadcast_in_dim3A_280] : memref<256x128xf32, #tpu.memory_space<vmem>>[vector<16xi32>, vector<16xi32>], vector<16xf32>,
      %mul3A_283 = arith.mulf %gather3A_281, %gather3A_282 : vector<16xf32>
      %add3A_284 = arith.addf %add3A_274, %mul3A_283 : vector<16xf32>
      %mul3A_285 = arith.mulf %gather3A_281, %gather3A_281 : vector<16xf32>
      %add3A_286 = arith.addf %add3A_276, %mul3A_285 : vector<16xf32>
      %mul3A_287 = arith.mulf %gather3A_282, %gather3A_282 : vector<16xf32>
      %add3A_288 = arith.addf %add3A_278, %mul3A_287 : vector<16xf32>
      %broadcast_in_dim3A_289 = arith.constant 14 : i32
      %broadcast_in_dim3A_290 = vector.broadcast %broadcast_in_dim3A_289 : i32 to vector<16xi32>
      %gather3A_291 = tpu.vector_load_idx %arg9[%add3A_144, %broadcast_in_dim3A_290] : memref<256x128xf32, #tpu.memory_space<vmem>>[vector<16xi32>, vector<16xi32>], vector<16xf32>,
      %gather3A_292 = tpu.vector_load_idx %arg10[%add3A_144, %broadcast_in_dim3A_290] : memref<256x128xf32, #tpu.memory_space<vmem>>[vector<16xi32>, vector<16xi32>], vector<16xf32>,
      %mul3A_293 = arith.mulf %gather3A_291, %gather3A_292 : vector<16xf32>
      %add3A_294 = arith.addf %add3A_284, %mul3A_293 : vector<16xf32>
      %mul3A_295 = arith.mulf %gather3A_291, %gather3A_291 : vector<16xf32>
      %add3A_296 = arith.addf %add3A_286, %mul3A_295 : vector<16xf32>
      %mul3A_297 = arith.mulf %gather3A_292, %gather3A_292 : vector<16xf32>
      %add3A_298 = arith.addf %add3A_288, %mul3A_297 : vector<16xf32>
      %broadcast_in_dim3A_299 = arith.constant 15 : i32
      %broadcast_in_dim3A_300 = vector.broadcast %broadcast_in_dim3A_299 : i32 to vector<16xi32>
      %gather3A_301 = tpu.vector_load_idx %arg9[%add3A_144, %broadcast_in_dim3A_300] : memref<256x128xf32, #tpu.memory_space<vmem>>[vector<16xi32>, vector<16xi32>], vector<16xf32>,
      %gather3A_302 = tpu.vector_load_idx %arg10[%add3A_144, %broadcast_in_dim3A_300] : memref<256x128xf32, #tpu.memory_space<vmem>>[vector<16xi32>, vector<16xi32>], vector<16xf32>,
      %mul3A_303 = arith.mulf %gather3A_301, %gather3A_302 : vector<16xf32>
      %add3A_304 = arith.addf %add3A_294, %mul3A_303 : vector<16xf32>
      %mul3A_305 = arith.mulf %gather3A_301, %gather3A_301 : vector<16xf32>
      %add3A_306 = arith.addf %add3A_296, %mul3A_305 : vector<16xf32>
      %mul3A_307 = arith.mulf %gather3A_302, %gather3A_302 : vector<16xf32>
      %add3A_308 = arith.addf %add3A_298, %mul3A_307 : vector<16xf32>
      %broadcast_in_dim3A_309 = arith.constant 16 : i32
      %broadcast_in_dim3A_310 = vector.broadcast %broadcast_in_dim3A_309 : i32 to vector<16xi32>
      %gather3A_311 = tpu.vector_load_idx %arg9[%add3A_144, %broadcast_in_dim3A_310] : memref<256x128xf32, #tpu.memory_space<vmem>>[vector<16xi32>, vector<16xi32>], vector<16xf32>,
      %gather3A_312 = tpu.vector_load_idx %arg10[%add3A_144, %broadcast_in_dim3A_310] : memref<256x128xf32, #tpu.memory_space<vmem>>[vector<16xi32>, vector<16xi32>], vector<16xf32>,
      %mul3A_313 = arith.mulf %gather3A_311, %gather3A_312 : vector<16xf32>
      %add3A_314 = arith.addf %add3A_304, %mul3A_313 : vector<16xf32>
      %mul3A_315 = arith.mulf %gather3A_311, %gather3A_311 : vector<16xf32>
      %add3A_316 = arith.addf %add3A_306, %mul3A_315 : vector<16xf32>
      %mul3A_317 = arith.mulf %gather3A_312, %gather3A_312 : vector<16xf32>
      %add3A_318 = arith.addf %add3A_308, %mul3A_317 : vector<16xf32>
      %broadcast_in_dim3A_319 = arith.constant 17 : i32
      %broadcast_in_dim3A_320 = vector.broadcast %broadcast_in_dim3A_319 : i32 to vector<16xi32>
      %gather3A_321 = tpu.vector_load_idx %arg9[%add3A_144, %broadcast_in_dim3A_320] : memref<256x128xf32, #tpu.memory_space<vmem>>[vector<16xi32>, vector<16xi32>], vector<16xf32>,
      %gather3A_322 = tpu.vector_load_idx %arg10[%add3A_144, %broadcast_in_dim3A_320] : memref<256x128xf32, #tpu.memory_space<vmem>>[vector<16xi32>, vector<16xi32>], vector<16xf32>,
      %mul3A_323 = arith.mulf %gather3A_321, %gather3A_322 : vector<16xf32>
      %add3A_324 = arith.addf %add3A_314, %mul3A_323 : vector<16xf32>
      %mul3A_325 = arith.mulf %gather3A_321, %gather3A_321 : vector<16xf32>
      %add3A_326 = arith.addf %add3A_316, %mul3A_325 : vector<16xf32>
      %mul3A_327 = arith.mulf %gather3A_322, %gather3A_322 : vector<16xf32>
      %add3A_328 = arith.addf %add3A_318, %mul3A_327 : vector<16xf32>
      %broadcast_in_dim3A_329 = arith.constant 18 : i32
      %broadcast_in_dim3A_330 = vector.broadcast %broadcast_in_dim3A_329 : i32 to vector<16xi32>
      %gather3A_331 = tpu.vector_load_idx %arg9[%add3A_144, %broadcast_in_dim3A_330] : memref<256x128xf32, #tpu.memory_space<vmem>>[vector<16xi32>, vector<16xi32>], vector<16xf32>,
      %gather3A_332 = tpu.vector_load_idx %arg10[%add3A_144, %broadcast_in_dim3A_330] : memref<256x128xf32, #tpu.memory_space<vmem>>[vector<16xi32>, vector<16xi32>], vector<16xf32>,
      %mul3A_333 = arith.mulf %gather3A_331, %gather3A_332 : vector<16xf32>
      %add3A_334 = arith.addf %add3A_324, %mul3A_333 : vector<16xf32>
      %mul3A_335 = arith.mulf %gather3A_331, %gather3A_331 : vector<16xf32>
      %add3A_336 = arith.addf %add3A_326, %mul3A_335 : vector<16xf32>
      %mul3A_337 = arith.mulf %gather3A_332, %gather3A_332 : vector<16xf32>
      %add3A_338 = arith.addf %add3A_328, %mul3A_337 : vector<16xf32>
      %broadcast_in_dim3A_339 = arith.constant 19 : i32
      %broadcast_in_dim3A_340 = vector.broadcast %broadcast_in_dim3A_339 : i32 to vector<16xi32>
      %gather3A_341 = tpu.vector_load_idx %arg9[%add3A_144, %broadcast_in_dim3A_340] : memref<256x128xf32, #tpu.memory_space<vmem>>[vector<16xi32>, vector<16xi32>], vector<16xf32>,
      %gather3A_342 = tpu.vector_load_idx %arg10[%add3A_144, %broadcast_in_dim3A_340] : memref<256x128xf32, #tpu.memory_space<vmem>>[vector<16xi32>, vector<16xi32>], vector<16xf32>,
      %mul3A_343 = arith.mulf %gather3A_341, %gather3A_342 : vector<16xf32>
      %add3A_344 = arith.addf %add3A_334, %mul3A_343 : vector<16xf32>
      %mul3A_345 = arith.mulf %gather3A_341, %gather3A_341 : vector<16xf32>
      %add3A_346 = arith.addf %add3A_336, %mul3A_345 : vector<16xf32>
      %mul3A_347 = arith.mulf %gather3A_342, %gather3A_342 : vector<16xf32>
      %add3A_348 = arith.addf %add3A_338, %mul3A_347 : vector<16xf32>
      %max3A = arith.constant 1.000000e-16 : f32
      %max3A_349 = vector.broadcast %max3A : f32 to vector<16xf32>
      %max3A_350 = arith.maximumf %add3A_346, %max3A_349 : vector<16xf32>
      %max3A_351 = arith.constant 1.000000e-16 : f32
      %max3A_352 = vector.broadcast %max3A_351 : f32 to vector<16xf32>
      %max3A_353 = arith.maximumf %add3A_348, %max3A_352 : vector<16xf32>
      %mul3A_354 = arith.mulf %max3A_350, %max3A_353 : vector<16xf32>
      %bitcast3A = vector.bitcast %mul3A_354 : vector<16xf32> to vector<16xi32>
      %shift_right_arithmetic3A = arith.constant 1 : i32
      %shift_right_arithmetic3A_355 = vector.broadcast %shift_right_arithmetic3A : i32 to vector<16xi32>
      %shift_right_arithmetic3A_356 = arith.shrsi %bitcast3A, %shift_right_arithmetic3A_355 : vector<16xi32>
      %sub3A = arith.constant 1597463007 : i32
      %sub3A_357 = vector.broadcast %sub3A : i32 to vector<16xi32>
      %sub3A_358 = arith.subi %sub3A_357, %shift_right_arithmetic3A_356 : vector<16xi32>
      %bitcast3A_359 = vector.bitcast %sub3A_358 : vector<16xi32> to vector<16xf32>
      %mul3A_360 = arith.constant 5.000000e-01 : f32
      %mul3A_361 = vector.broadcast %mul3A_360 : f32 to vector<16xf32>
      %mul3A_362 = arith.mulf %mul3A_361, %mul3A_354 : vector<16xf32>
      %mul3A_363 = arith.mulf %mul3A_362, %bitcast3A_359 : vector<16xf32>
      %mul3A_364 = arith.mulf %mul3A_363, %bitcast3A_359 : vector<16xf32>
      %sub3A_365 = arith.constant 1.500000e+00 : f32
      %sub3A_366 = vector.broadcast %sub3A_365 : f32 to vector<16xf32>
      %sub3A_367 = arith.subf %sub3A_366, %mul3A_364 : vector<16xf32>
      %mul3A_368 = arith.mulf %bitcast3A_359, %sub3A_367 : vector<16xf32>
      %mul3A_369 = arith.constant 5.000000e-01 : f32
      %mul3A_370 = vector.broadcast %mul3A_369 : f32 to vector<16xf32>
      %mul3A_371 = arith.mulf %mul3A_370, %mul3A_354 : vector<16xf32>
      %mul3A_372 = arith.mulf %mul3A_371, %mul3A_368 : vector<16xf32>
      %mul3A_373 = arith.mulf %mul3A_372, %mul3A_368 : vector<16xf32>
      %sub3A_374 = arith.constant 1.500000e+00 : f32
      %sub3A_375 = vector.broadcast %sub3A_374 : f32 to vector<16xf32>
      %sub3A_376 = arith.subf %sub3A_375, %mul3A_373 : vector<16xf32>
      %mul3A_377 = arith.mulf %mul3A_368, %sub3A_376 : vector<16xf32>
      %mul3A_378 = arith.constant 5.000000e-01 : f32
      %mul3A_379 = vector.broadcast %mul3A_378 : f32 to vector<16xf32>
      %mul3A_380 = arith.mulf %mul3A_379, %mul3A_354 : vector<16xf32>
      %mul3A_381 = arith.mulf %mul3A_380, %mul3A_377 : vector<16xf32>
      %mul3A_382 = arith.mulf %mul3A_381, %mul3A_377 : vector<16xf32>
      %sub3A_383 = arith.constant 1.500000e+00 : f32
      %sub3A_384 = vector.broadcast %sub3A_383 : f32 to vector<16xf32>
      %sub3A_385 = arith.subf %sub3A_384, %mul3A_382 : vector<16xf32>
      %mul3A_386 = arith.mulf %mul3A_377, %sub3A_385 : vector<16xf32>
      %mul3A_387 = arith.mulf %add3A_344, %mul3A_386 : vector<16xf32>
      %mul3A_388 = arith.constant 2.000000e+00 : f32
      %mul3A_389 = vector.broadcast %mul3A_388 : f32 to vector<16xf32>
      %mul3A_390 = arith.mulf %mul3A_387, %mul3A_389 : vector<16xf32>
      %add3A_391 = arith.constant 3.000000e+00 : f32
      %add3A_392 = vector.broadcast %add3A_391 : f32 to vector<16xf32>
      %add3A_393 = arith.addf %mul3A_390, %add3A_392 : vector<16xf32>
      %mul3A_394 = arith.constant 16 : i32
      %mul3A_395 = arith.muli %scan3A_140, %mul3A_394 : i32
      %add3A_396 = arith.constant 0 : i32
      %add3A_397 = arith.addi %add3A_396, %mul3A_395 : i32
      %swap3A = arith.index_cast %add3A_397 : i32 to index
      %swap3A_398 = tpu.vector_load %arg11[%swap3A] {strides = array<i32>} : memref<512xf32, #tpu.memory_space<vmem>>, vector<16xf32>,
      tpu.vector_store %arg11[%swap3A], %add3A_393 {strides = array<i32>} : memref<512xf32, #tpu.memory_space<vmem>>, vector<16xf32>,
    }
    %scan3A_69 = arith.constant 16 : i32
    %dma_start3A_70 = arith.constant 0 : i32
    %dma_start3A_71 = arith.constant 0 : i32
    %dma_start3A_72 = tpu.memref_slice %arg9[%dma_start3A_70, %dma_start3A_71] : memref<256x128xf32, #tpu.memory_space<vmem>> -> memref<128x128xf32, #tpu.memory_space<vmem>>
    %dma_start3A_73 = arith.constant 256 : i32
    %dma_start3A_74 = tpu.memref_slice %arg7[%dma_start3A_73] : memref<512xi32, #tpu.memory_space<vmem>> -> memref<128xi32, #tpu.memory_space<vmem>>
    %dma_start3A_75 = arith.constant 0 : i32
    %dma_start3A_76 = arith.constant 0 : i32
    %dma_start3A_77 = tpu.memref_slice %arg4[%dma_start3A_75, %dma_start3A_76] : memref<1000000x128xf32, #tpu.memory_space<hbm>> -> memref<1000000x128xf32, #tpu.memory_space<hbm>>
    tpu.enqueue_indirect_dma source(%dma_start3A_77 : memref<1000000x128xf32, #tpu.memory_space<hbm>>) target(%dma_start3A_72 : memref<128x128xf32, #tpu.memory_space<vmem>>) offsets(%dma_start3A_74 : memref<128xi32, #tpu.memory_space<vmem>>) semaphore(%arg12 : memref<!tpu.dma_semaphore, #tpu.memory_space<semaphore_mem>>)
    %dma_start3A_78 = arith.constant 0 : i32
    %dma_start3A_79 = arith.constant 0 : i32
    %dma_start3A_80 = tpu.memref_slice %arg10[%dma_start3A_78, %dma_start3A_79] : memref<256x128xf32, #tpu.memory_space<vmem>> -> memref<128x128xf32, #tpu.memory_space<vmem>>
    %dma_start3A_81 = arith.constant 256 : i32
    %dma_start3A_82 = tpu.memref_slice %arg8[%dma_start3A_81] : memref<512xi32, #tpu.memory_space<vmem>> -> memref<128xi32, #tpu.memory_space<vmem>>
    %dma_start3A_83 = arith.constant 0 : i32
    %dma_start3A_84 = arith.constant 0 : i32
    %dma_start3A_85 = tpu.memref_slice %arg5[%dma_start3A_83, %dma_start3A_84] : memref<1000000x128xf32, #tpu.memory_space<hbm>> -> memref<1000000x128xf32, #tpu.memory_space<hbm>>
    tpu.enqueue_indirect_dma source(%dma_start3A_85 : memref<1000000x128xf32, #tpu.memory_space<hbm>>) target(%dma_start3A_80 : memref<128x128xf32, #tpu.memory_space<vmem>>) offsets(%dma_start3A_82 : memref<128xi32, #tpu.memory_space<vmem>>) semaphore(%arg12 : memref<!tpu.dma_semaphore, #tpu.memory_space<semaphore_mem>>)
    %dma_start3A_86 = arith.constant 128 : i32
    %dma_start3A_87 = arith.constant 0 : i32
    %dma_start3A_88 = tpu.memref_slice %arg9[%dma_start3A_86, %dma_start3A_87] : memref<256x128xf32, #tpu.memory_space<vmem>> -> memref<128x128xf32, #tpu.memory_space<vmem>>
    %dma_start3A_89 = arith.constant 384 : i32
    %dma_start3A_90 = tpu.memref_slice %arg7[%dma_start3A_89] : memref<512xi32, #tpu.memory_space<vmem>> -> memref<128xi32, #tpu.memory_space<vmem>>
    %dma_start3A_91 = arith.constant 0 : i32
    %dma_start3A_92 = arith.constant 0 : i32
    %dma_start3A_93 = tpu.memref_slice %arg4[%dma_start3A_91, %dma_start3A_92] : memref<1000000x128xf32, #tpu.memory_space<hbm>> -> memref<1000000x128xf32, #tpu.memory_space<hbm>>
    tpu.enqueue_indirect_dma source(%dma_start3A_93 : memref<1000000x128xf32, #tpu.memory_space<hbm>>) target(%dma_start3A_88 : memref<128x128xf32, #tpu.memory_space<vmem>>) offsets(%dma_start3A_90 : memref<128xi32, #tpu.memory_space<vmem>>) semaphore(%arg12 : memref<!tpu.dma_semaphore, #tpu.memory_space<semaphore_mem>>)
    %dma_start3A_94 = arith.constant 128 : i32
    %dma_start3A_95 = arith.constant 0 : i32
    %dma_start3A_96 = tpu.memref_slice %arg10[%dma_start3A_94, %dma_start3A_95] : memref<256x128xf32, #tpu.memory_space<vmem>> -> memref<128x128xf32, #tpu.memory_space<vmem>>
    %dma_start3A_97 = arith.constant 384 : i32
    %dma_start3A_98 = tpu.memref_slice %arg8[%dma_start3A_97] : memref<512xi32, #tpu.memory_space<vmem>> -> memref<128xi32, #tpu.memory_space<vmem>>
    %dma_start3A_99 = arith.constant 0 : i32
    %dma_start3A_100 = arith.constant 0 : i32
    %dma_start3A_101 = tpu.memref_slice %arg5[%dma_start3A_99, %dma_start3A_100] : memref<1000000x128xf32, #tpu.memory_space<hbm>> -> memref<1000000x128xf32, #tpu.memory_space<hbm>>
    tpu.enqueue_indirect_dma source(%dma_start3A_101 : memref<1000000x128xf32, #tpu.memory_space<hbm>>) target(%dma_start3A_96 : memref<128x128xf32, #tpu.memory_space<vmem>>) offsets(%dma_start3A_98 : memref<128xi32, #tpu.memory_space<vmem>>) semaphore(%arg12 : memref<!tpu.dma_semaphore, #tpu.memory_space<semaphore_mem>>)
    %dma_wait3A_102 = arith.constant 0 : i32
    %dma_wait3A_103 = arith.constant 0 : i32
    %dma_wait3A_104 = tpu.memref_slice %arg9[%dma_wait3A_102, %dma_wait3A_103] : memref<256x128xf32, #tpu.memory_space<vmem>> -> memref<128x128xf32, #tpu.memory_space<vmem>>
    %dma_wait3A_105 = arith.constant 256 : i32
    %dma_wait3A_106 = tpu.memref_slice %arg7[%dma_wait3A_105] : memref<512xi32, #tpu.memory_space<vmem>> -> memref<128xi32, #tpu.memory_space<vmem>>
    %dma_wait3A_107 = arith.constant 0 : i32
    %dma_wait3A_108 = arith.constant 0 : i32
    %dma_wait3A_109 = tpu.memref_slice %arg4[%dma_wait3A_107, %dma_wait3A_108] : memref<1000000x128xf32, #tpu.memory_space<hbm>> -> memref<1000000x128xf32, #tpu.memory_space<hbm>>
    tpu.wait_indirect_dma semaphore(%arg12 : memref<!tpu.dma_semaphore, #tpu.memory_space<semaphore_mem>>) src(%dma_wait3A_109 : memref<1000000x128xf32, #tpu.memory_space<hbm>>) dst(%dma_wait3A_104 : memref<128x128xf32, #tpu.memory_space<vmem>>)
    %dma_wait3A_110 = arith.constant 0 : i32
    %dma_wait3A_111 = arith.constant 0 : i32
    %dma_wait3A_112 = tpu.memref_slice %arg10[%dma_wait3A_110, %dma_wait3A_111] : memref<256x128xf32, #tpu.memory_space<vmem>> -> memref<128x128xf32, #tpu.memory_space<vmem>>
    %dma_wait3A_113 = arith.constant 256 : i32
    %dma_wait3A_114 = tpu.memref_slice %arg8[%dma_wait3A_113] : memref<512xi32, #tpu.memory_space<vmem>> -> memref<128xi32, #tpu.memory_space<vmem>>
    %dma_wait3A_115 = arith.constant 0 : i32
    %dma_wait3A_116 = arith.constant 0 : i32
    %dma_wait3A_117 = tpu.memref_slice %arg5[%dma_wait3A_115, %dma_wait3A_116] : memref<1000000x128xf32, #tpu.memory_space<hbm>> -> memref<1000000x128xf32, #tpu.memory_space<hbm>>
    tpu.wait_indirect_dma semaphore(%arg12 : memref<!tpu.dma_semaphore, #tpu.memory_space<semaphore_mem>>) src(%dma_wait3A_117 : memref<1000000x128xf32, #tpu.memory_space<hbm>>) dst(%dma_wait3A_112 : memref<128x128xf32, #tpu.memory_space<vmem>>)
    %dma_wait3A_118 = arith.constant 128 : i32
    %dma_wait3A_119 = arith.constant 0 : i32
    %dma_wait3A_120 = tpu.memref_slice %arg9[%dma_wait3A_118, %dma_wait3A_119] : memref<256x128xf32, #tpu.memory_space<vmem>> -> memref<128x128xf32, #tpu.memory_space<vmem>>
    %dma_wait3A_121 = arith.constant 384 : i32
    %dma_wait3A_122 = tpu.memref_slice %arg7[%dma_wait3A_121] : memref<512xi32, #tpu.memory_space<vmem>> -> memref<128xi32, #tpu.memory_space<vmem>>
    %dma_wait3A_123 = arith.constant 0 : i32
    %dma_wait3A_124 = arith.constant 0 : i32
    %dma_wait3A_125 = tpu.memref_slice %arg4[%dma_wait3A_123, %dma_wait3A_124] : memref<1000000x128xf32, #tpu.memory_space<hbm>> -> memref<1000000x128xf32, #tpu.memory_space<hbm>>
    tpu.wait_indirect_dma semaphore(%arg12 : memref<!tpu.dma_semaphore, #tpu.memory_space<semaphore_mem>>) src(%dma_wait3A_125 : memref<1000000x128xf32, #tpu.memory_space<hbm>>) dst(%dma_wait3A_120 : memref<128x128xf32, #tpu.memory_space<vmem>>)
    %dma_wait3A_126 = arith.constant 128 : i32
    %dma_wait3A_127 = arith.constant 0 : i32
    %dma_wait3A_128 = tpu.memref_slice %arg10[%dma_wait3A_126, %dma_wait3A_127] : memref<256x128xf32, #tpu.memory_space<vmem>> -> memref<128x128xf32, #tpu.memory_space<vmem>>
    %dma_wait3A_129 = arith.constant 384 : i32
    %dma_wait3A_130 = tpu.memref_slice %arg8[%dma_wait3A_129] : memref<512xi32, #tpu.memory_space<vmem>> -> memref<128xi32, #tpu.memory_space<vmem>>
    %dma_wait3A_131 = arith.constant 0 : i32
    %dma_wait3A_132 = arith.constant 0 : i32
    %dma_wait3A_133 = tpu.memref_slice %arg5[%dma_wait3A_131, %dma_wait3A_132] : memref<1000000x128xf32, #tpu.memory_space<hbm>> -> memref<1000000x128xf32, #tpu.memory_space<hbm>>
    tpu.wait_indirect_dma semaphore(%arg12 : memref<!tpu.dma_semaphore, #tpu.memory_space<semaphore_mem>>) src(%dma_wait3A_133 : memref<1000000x128xf32, #tpu.memory_space<hbm>>) dst(%dma_wait3A_128 : memref<128x128xf32, #tpu.memory_space<vmem>>)
    %scan3A_134 = arith.constant 0 : i32
    %scan3A_135 = arith.constant 0 : i32
    %scan3A_136 = arith.constant 16 : i32
    %scan3A_137 = arith.addi %scan3A_135, %scan3A_136 : i32
    %scan3A_138 = arith.constant 1 : i32
    scf.for %scan3A_140 = %scan3A_135 to %scan3A_137 step %scan3A_138  : i32 {
      %mul3A_141 = arith.constant 16 : i32
      %mul3A_142 = arith.muli %scan3A_140, %mul3A_141 : i32
      %add3A_143 = vector.broadcast %mul3A_142 : i32 to vector<16xi32>
      %add3A_144 = arith.addi %add3A_143, %iota3A : vector<16xi32>
      %broadcast_in_dim3A = arith.constant 0.000000e+00 : f32
      %broadcast_in_dim3A_145 = vector.broadcast %broadcast_in_dim3A : f32 to vector<16xf32>
      %broadcast_in_dim3A_146 = arith.constant 0.000000e+00 : f32
      %broadcast_in_dim3A_147 = vector.broadcast %broadcast_in_dim3A_146 : f32 to vector<16xf32>
      %broadcast_in_dim3A_148 = arith.constant 0.000000e+00 : f32
      %broadcast_in_dim3A_149 = vector.broadcast %broadcast_in_dim3A_148 : f32 to vector<16xf32>
      %broadcast_in_dim3A_150 = arith.constant 0 : i32
      %broadcast_in_dim3A_151 = vector.broadcast %broadcast_in_dim3A_150 : i32 to vector<16xi32>
      %gather3A = tpu.vector_load_idx %arg9[%add3A_144, %broadcast_in_dim3A_151] : memref<256x128xf32, #tpu.memory_space<vmem>>[vector<16xi32>, vector<16xi32>], vector<16xf32>,
      %gather3A_152 = tpu.vector_load_idx %arg10[%add3A_144, %broadcast_in_dim3A_151] : memref<256x128xf32, #tpu.memory_space<vmem>>[vector<16xi32>, vector<16xi32>], vector<16xf32>,
      %mul3A_153 = arith.mulf %gather3A, %gather3A_152 : vector<16xf32>
      %add3A_154 = arith.addf %broadcast_in_dim3A_145, %mul3A_153 : vector<16xf32>
      %mul3A_155 = arith.mulf %gather3A, %gather3A : vector<16xf32>
      %add3A_156 = arith.addf %broadcast_in_dim3A_147, %mul3A_155 : vector<16xf32>
      %mul3A_157 = arith.mulf %gather3A_152, %gather3A_152 : vector<16xf32>
      %add3A_158 = arith.addf %broadcast_in_dim3A_149, %mul3A_157 : vector<16xf32>
      %broadcast_in_dim3A_159 = arith.constant 1 : i32
      %broadcast_in_dim3A_160 = vector.broadcast %broadcast_in_dim3A_159 : i32 to vector<16xi32>
      %gather3A_161 = tpu.vector_load_idx %arg9[%add3A_144, %broadcast_in_dim3A_160] : memref<256x128xf32, #tpu.memory_space<vmem>>[vector<16xi32>, vector<16xi32>], vector<16xf32>,
      %gather3A_162 = tpu.vector_load_idx %arg10[%add3A_144, %broadcast_in_dim3A_160] : memref<256x128xf32, #tpu.memory_space<vmem>>[vector<16xi32>, vector<16xi32>], vector<16xf32>,
      %mul3A_163 = arith.mulf %gather3A_161, %gather3A_162 : vector<16xf32>
      %add3A_164 = arith.addf %add3A_154, %mul3A_163 : vector<16xf32>
      %mul3A_165 = arith.mulf %gather3A_161, %gather3A_161 : vector<16xf32>
      %add3A_166 = arith.addf %add3A_156, %mul3A_165 : vector<16xf32>
      %mul3A_167 = arith.mulf %gather3A_162, %gather3A_162 : vector<16xf32>
      %add3A_168 = arith.addf %add3A_158, %mul3A_167 : vector<16xf32>
      %broadcast_in_dim3A_169 = arith.constant 2 : i32
      %broadcast_in_dim3A_170 = vector.broadcast %broadcast_in_dim3A_169 : i32 to vector<16xi32>
      %gather3A_171 = tpu.vector_load_idx %arg9[%add3A_144, %broadcast_in_dim3A_170] : memref<256x128xf32, #tpu.memory_space<vmem>>[vector<16xi32>, vector<16xi32>], vector<16xf32>,
      %gather3A_172 = tpu.vector_load_idx %arg10[%add3A_144, %broadcast_in_dim3A_170] : memref<256x128xf32, #tpu.memory_space<vmem>>[vector<16xi32>, vector<16xi32>], vector<16xf32>,
      %mul3A_173 = arith.mulf %gather3A_171, %gather3A_172 : vector<16xf32>
      %add3A_174 = arith.addf %add3A_164, %mul3A_173 : vector<16xf32>
      %mul3A_175 = arith.mulf %gather3A_171, %gather3A_171 : vector<16xf32>
      %add3A_176 = arith.addf %add3A_166, %mul3A_175 : vector<16xf32>
      %mul3A_177 = arith.mulf %gather3A_172, %gather3A_172 : vector<16xf32>
      %add3A_178 = arith.addf %add3A_168, %mul3A_177 : vector<16xf32>
      %broadcast_in_dim3A_179 = arith.constant 3 : i32
      %broadcast_in_dim3A_180 = vector.broadcast %broadcast_in_dim3A_179 : i32 to vector<16xi32>
      %gather3A_181 = tpu.vector_load_idx %arg9[%add3A_144, %broadcast_in_dim3A_180] : memref<256x128xf32, #tpu.memory_space<vmem>>[vector<16xi32>, vector<16xi32>], vector<16xf32>,
      %gather3A_182 = tpu.vector_load_idx %arg10[%add3A_144, %broadcast_in_dim3A_180] : memref<256x128xf32, #tpu.memory_space<vmem>>[vector<16xi32>, vector<16xi32>], vector<16xf32>,
      %mul3A_183 = arith.mulf %gather3A_181, %gather3A_182 : vector<16xf32>
      %add3A_184 = arith.addf %add3A_174, %mul3A_183 : vector<16xf32>
      %mul3A_185 = arith.mulf %gather3A_181, %gather3A_181 : vector<16xf32>
      %add3A_186 = arith.addf %add3A_176, %mul3A_185 : vector<16xf32>
      %mul3A_187 = arith.mulf %gather3A_182, %gather3A_182 : vector<16xf32>
      %add3A_188 = arith.addf %add3A_178, %mul3A_187 : vector<16xf32>
      %broadcast_in_dim3A_189 = arith.constant 4 : i32
      %broadcast_in_dim3A_190 = vector.broadcast %broadcast_in_dim3A_189 : i32 to vector<16xi32>
      %gather3A_191 = tpu.vector_load_idx %arg9[%add3A_144, %broadcast_in_dim3A_190] : memref<256x128xf32, #tpu.memory_space<vmem>>[vector<16xi32>, vector<16xi32>], vector<16xf32>,
      %gather3A_192 = tpu.vector_load_idx %arg10[%add3A_144, %broadcast_in_dim3A_190] : memref<256x128xf32, #tpu.memory_space<vmem>>[vector<16xi32>, vector<16xi32>], vector<16xf32>,
      %mul3A_193 = arith.mulf %gather3A_191, %gather3A_192 : vector<16xf32>
      %add3A_194 = arith.addf %add3A_184, %mul3A_193 : vector<16xf32>
      %mul3A_195 = arith.mulf %gather3A_191, %gather3A_191 : vector<16xf32>
      %add3A_196 = arith.addf %add3A_186, %mul3A_195 : vector<16xf32>
      %mul3A_197 = arith.mulf %gather3A_192, %gather3A_192 : vector<16xf32>
      %add3A_198 = arith.addf %add3A_188, %mul3A_197 : vector<16xf32>
      %broadcast_in_dim3A_199 = arith.constant 5 : i32
      %broadcast_in_dim3A_200 = vector.broadcast %broadcast_in_dim3A_199 : i32 to vector<16xi32>
      %gather3A_201 = tpu.vector_load_idx %arg9[%add3A_144, %broadcast_in_dim3A_200] : memref<256x128xf32, #tpu.memory_space<vmem>>[vector<16xi32>, vector<16xi32>], vector<16xf32>,
      %gather3A_202 = tpu.vector_load_idx %arg10[%add3A_144, %broadcast_in_dim3A_200] : memref<256x128xf32, #tpu.memory_space<vmem>>[vector<16xi32>, vector<16xi32>], vector<16xf32>,
      %mul3A_203 = arith.mulf %gather3A_201, %gather3A_202 : vector<16xf32>
      %add3A_204 = arith.addf %add3A_194, %mul3A_203 : vector<16xf32>
      %mul3A_205 = arith.mulf %gather3A_201, %gather3A_201 : vector<16xf32>
      %add3A_206 = arith.addf %add3A_196, %mul3A_205 : vector<16xf32>
      %mul3A_207 = arith.mulf %gather3A_202, %gather3A_202 : vector<16xf32>
      %add3A_208 = arith.addf %add3A_198, %mul3A_207 : vector<16xf32>
      %broadcast_in_dim3A_209 = arith.constant 6 : i32
      %broadcast_in_dim3A_210 = vector.broadcast %broadcast_in_dim3A_209 : i32 to vector<16xi32>
      %gather3A_211 = tpu.vector_load_idx %arg9[%add3A_144, %broadcast_in_dim3A_210] : memref<256x128xf32, #tpu.memory_space<vmem>>[vector<16xi32>, vector<16xi32>], vector<16xf32>,
      %gather3A_212 = tpu.vector_load_idx %arg10[%add3A_144, %broadcast_in_dim3A_210] : memref<256x128xf32, #tpu.memory_space<vmem>>[vector<16xi32>, vector<16xi32>], vector<16xf32>,
      %mul3A_213 = arith.mulf %gather3A_211, %gather3A_212 : vector<16xf32>
      %add3A_214 = arith.addf %add3A_204, %mul3A_213 : vector<16xf32>
      %mul3A_215 = arith.mulf %gather3A_211, %gather3A_211 : vector<16xf32>
      %add3A_216 = arith.addf %add3A_206, %mul3A_215 : vector<16xf32>
      %mul3A_217 = arith.mulf %gather3A_212, %gather3A_212 : vector<16xf32>
      %add3A_218 = arith.addf %add3A_208, %mul3A_217 : vector<16xf32>
      %broadcast_in_dim3A_219 = arith.constant 7 : i32
      %broadcast_in_dim3A_220 = vector.broadcast %broadcast_in_dim3A_219 : i32 to vector<16xi32>
      %gather3A_221 = tpu.vector_load_idx %arg9[%add3A_144, %broadcast_in_dim3A_220] : memref<256x128xf32, #tpu.memory_space<vmem>>[vector<16xi32>, vector<16xi32>], vector<16xf32>,
      %gather3A_222 = tpu.vector_load_idx %arg10[%add3A_144, %broadcast_in_dim3A_220] : memref<256x128xf32, #tpu.memory_space<vmem>>[vector<16xi32>, vector<16xi32>], vector<16xf32>,
      %mul3A_223 = arith.mulf %gather3A_221, %gather3A_222 : vector<16xf32>
      %add3A_224 = arith.addf %add3A_214, %mul3A_223 : vector<16xf32>
      %mul3A_225 = arith.mulf %gather3A_221, %gather3A_221 : vector<16xf32>
      %add3A_226 = arith.addf %add3A_216, %mul3A_225 : vector<16xf32>
      %mul3A_227 = arith.mulf %gather3A_222, %gather3A_222 : vector<16xf32>
      %add3A_228 = arith.addf %add3A_218, %mul3A_227 : vector<16xf32>
      %broadcast_in_dim3A_229 = arith.constant 8 : i32
      %broadcast_in_dim3A_230 = vector.broadcast %broadcast_in_dim3A_229 : i32 to vector<16xi32>
      %gather3A_231 = tpu.vector_load_idx %arg9[%add3A_144, %broadcast_in_dim3A_230] : memref<256x128xf32, #tpu.memory_space<vmem>>[vector<16xi32>, vector<16xi32>], vector<16xf32>,
      %gather3A_232 = tpu.vector_load_idx %arg10[%add3A_144, %broadcast_in_dim3A_230] : memref<256x128xf32, #tpu.memory_space<vmem>>[vector<16xi32>, vector<16xi32>], vector<16xf32>,
      %mul3A_233 = arith.mulf %gather3A_231, %gather3A_232 : vector<16xf32>
      %add3A_234 = arith.addf %add3A_224, %mul3A_233 : vector<16xf32>
      %mul3A_235 = arith.mulf %gather3A_231, %gather3A_231 : vector<16xf32>
      %add3A_236 = arith.addf %add3A_226, %mul3A_235 : vector<16xf32>
      %mul3A_237 = arith.mulf %gather3A_232, %gather3A_232 : vector<16xf32>
      %add3A_238 = arith.addf %add3A_228, %mul3A_237 : vector<16xf32>
      %broadcast_in_dim3A_239 = arith.constant 9 : i32
      %broadcast_in_dim3A_240 = vector.broadcast %broadcast_in_dim3A_239 : i32 to vector<16xi32>
      %gather3A_241 = tpu.vector_load_idx %arg9[%add3A_144, %broadcast_in_dim3A_240] : memref<256x128xf32, #tpu.memory_space<vmem>>[vector<16xi32>, vector<16xi32>], vector<16xf32>,
      %gather3A_242 = tpu.vector_load_idx %arg10[%add3A_144, %broadcast_in_dim3A_240] : memref<256x128xf32, #tpu.memory_space<vmem>>[vector<16xi32>, vector<16xi32>], vector<16xf32>,
      %mul3A_243 = arith.mulf %gather3A_241, %gather3A_242 : vector<16xf32>
      %add3A_244 = arith.addf %add3A_234, %mul3A_243 : vector<16xf32>
      %mul3A_245 = arith.mulf %gather3A_241, %gather3A_241 : vector<16xf32>
      %add3A_246 = arith.addf %add3A_236, %mul3A_245 : vector<16xf32>
      %mul3A_247 = arith.mulf %gather3A_242, %gather3A_242 : vector<16xf32>
      %add3A_248 = arith.addf %add3A_238, %mul3A_247 : vector<16xf32>
      %broadcast_in_dim3A_249 = arith.constant 10 : i32
      %broadcast_in_dim3A_250 = vector.broadcast %broadcast_in_dim3A_249 : i32 to vector<16xi32>
      %gather3A_251 = tpu.vector_load_idx %arg9[%add3A_144, %broadcast_in_dim3A_250] : memref<256x128xf32, #tpu.memory_space<vmem>>[vector<16xi32>, vector<16xi32>], vector<16xf32>,
      %gather3A_252 = tpu.vector_load_idx %arg10[%add3A_144, %broadcast_in_dim3A_250] : memref<256x128xf32, #tpu.memory_space<vmem>>[vector<16xi32>, vector<16xi32>], vector<16xf32>,
      %mul3A_253 = arith.mulf %gather3A_251, %gather3A_252 : vector<16xf32>
      %add3A_254 = arith.addf %add3A_244, %mul3A_253 : vector<16xf32>
      %mul3A_255 = arith.mulf %gather3A_251, %gather3A_251 : vector<16xf32>
      %add3A_256 = arith.addf %add3A_246, %mul3A_255 : vector<16xf32>
      %mul3A_257 = arith.mulf %gather3A_252, %gather3A_252 : vector<16xf32>
      %add3A_258 = arith.addf %add3A_248, %mul3A_257 : vector<16xf32>
      %broadcast_in_dim3A_259 = arith.constant 11 : i32
      %broadcast_in_dim3A_260 = vector.broadcast %broadcast_in_dim3A_259 : i32 to vector<16xi32>
      %gather3A_261 = tpu.vector_load_idx %arg9[%add3A_144, %broadcast_in_dim3A_260] : memref<256x128xf32, #tpu.memory_space<vmem>>[vector<16xi32>, vector<16xi32>], vector<16xf32>,
      %gather3A_262 = tpu.vector_load_idx %arg10[%add3A_144, %broadcast_in_dim3A_260] : memref<256x128xf32, #tpu.memory_space<vmem>>[vector<16xi32>, vector<16xi32>], vector<16xf32>,
      %mul3A_263 = arith.mulf %gather3A_261, %gather3A_262 : vector<16xf32>
      %add3A_264 = arith.addf %add3A_254, %mul3A_263 : vector<16xf32>
      %mul3A_265 = arith.mulf %gather3A_261, %gather3A_261 : vector<16xf32>
      %add3A_266 = arith.addf %add3A_256, %mul3A_265 : vector<16xf32>
      %mul3A_267 = arith.mulf %gather3A_262, %gather3A_262 : vector<16xf32>
      %add3A_268 = arith.addf %add3A_258, %mul3A_267 : vector<16xf32>
      %broadcast_in_dim3A_269 = arith.constant 12 : i32
      %broadcast_in_dim3A_270 = vector.broadcast %broadcast_in_dim3A_269 : i32 to vector<16xi32>
      %gather3A_271 = tpu.vector_load_idx %arg9[%add3A_144, %broadcast_in_dim3A_270] : memref<256x128xf32, #tpu.memory_space<vmem>>[vector<16xi32>, vector<16xi32>], vector<16xf32>,
      %gather3A_272 = tpu.vector_load_idx %arg10[%add3A_144, %broadcast_in_dim3A_270] : memref<256x128xf32, #tpu.memory_space<vmem>>[vector<16xi32>, vector<16xi32>], vector<16xf32>,
      %mul3A_273 = arith.mulf %gather3A_271, %gather3A_272 : vector<16xf32>
      %add3A_274 = arith.addf %add3A_264, %mul3A_273 : vector<16xf32>
      %mul3A_275 = arith.mulf %gather3A_271, %gather3A_271 : vector<16xf32>
      %add3A_276 = arith.addf %add3A_266, %mul3A_275 : vector<16xf32>
      %mul3A_277 = arith.mulf %gather3A_272, %gather3A_272 : vector<16xf32>
      %add3A_278 = arith.addf %add3A_268, %mul3A_277 : vector<16xf32>
      %broadcast_in_dim3A_279 = arith.constant 13 : i32
      %broadcast_in_dim3A_280 = vector.broadcast %broadcast_in_dim3A_279 : i32 to vector<16xi32>
      %gather3A_281 = tpu.vector_load_idx %arg9[%add3A_144, %broadcast_in_dim3A_280] : memref<256x128xf32, #tpu.memory_space<vmem>>[vector<16xi32>, vector<16xi32>], vector<16xf32>,
      %gather3A_282 = tpu.vector_load_idx %arg10[%add3A_144, %broadcast_in_dim3A_280] : memref<256x128xf32, #tpu.memory_space<vmem>>[vector<16xi32>, vector<16xi32>], vector<16xf32>,
      %mul3A_283 = arith.mulf %gather3A_281, %gather3A_282 : vector<16xf32>
      %add3A_284 = arith.addf %add3A_274, %mul3A_283 : vector<16xf32>
      %mul3A_285 = arith.mulf %gather3A_281, %gather3A_281 : vector<16xf32>
      %add3A_286 = arith.addf %add3A_276, %mul3A_285 : vector<16xf32>
      %mul3A_287 = arith.mulf %gather3A_282, %gather3A_282 : vector<16xf32>
      %add3A_288 = arith.addf %add3A_278, %mul3A_287 : vector<16xf32>
      %broadcast_in_dim3A_289 = arith.constant 14 : i32
      %broadcast_in_dim3A_290 = vector.broadcast %broadcast_in_dim3A_289 : i32 to vector<16xi32>
      %gather3A_291 = tpu.vector_load_idx %arg9[%add3A_144, %broadcast_in_dim3A_290] : memref<256x128xf32, #tpu.memory_space<vmem>>[vector<16xi32>, vector<16xi32>], vector<16xf32>,
      %gather3A_292 = tpu.vector_load_idx %arg10[%add3A_144, %broadcast_in_dim3A_290] : memref<256x128xf32, #tpu.memory_space<vmem>>[vector<16xi32>, vector<16xi32>], vector<16xf32>,
      %mul3A_293 = arith.mulf %gather3A_291, %gather3A_292 : vector<16xf32>
      %add3A_294 = arith.addf %add3A_284, %mul3A_293 : vector<16xf32>
      %mul3A_295 = arith.mulf %gather3A_291, %gather3A_291 : vector<16xf32>
      %add3A_296 = arith.addf %add3A_286, %mul3A_295 : vector<16xf32>
      %mul3A_297 = arith.mulf %gather3A_292, %gather3A_292 : vector<16xf32>
      %add3A_298 = arith.addf %add3A_288, %mul3A_297 : vector<16xf32>
      %broadcast_in_dim3A_299 = arith.constant 15 : i32
      %broadcast_in_dim3A_300 = vector.broadcast %broadcast_in_dim3A_299 : i32 to vector<16xi32>
      %gather3A_301 = tpu.vector_load_idx %arg9[%add3A_144, %broadcast_in_dim3A_300] : memref<256x128xf32, #tpu.memory_space<vmem>>[vector<16xi32>, vector<16xi32>], vector<16xf32>,
      %gather3A_302 = tpu.vector_load_idx %arg10[%add3A_144, %broadcast_in_dim3A_300] : memref<256x128xf32, #tpu.memory_space<vmem>>[vector<16xi32>, vector<16xi32>], vector<16xf32>,
      %mul3A_303 = arith.mulf %gather3A_301, %gather3A_302 : vector<16xf32>
      %add3A_304 = arith.addf %add3A_294, %mul3A_303 : vector<16xf32>
      %mul3A_305 = arith.mulf %gather3A_301, %gather3A_301 : vector<16xf32>
      %add3A_306 = arith.addf %add3A_296, %mul3A_305 : vector<16xf32>
      %mul3A_307 = arith.mulf %gather3A_302, %gather3A_302 : vector<16xf32>
      %add3A_308 = arith.addf %add3A_298, %mul3A_307 : vector<16xf32>
      %broadcast_in_dim3A_309 = arith.constant 16 : i32
      %broadcast_in_dim3A_310 = vector.broadcast %broadcast_in_dim3A_309 : i32 to vector<16xi32>
      %gather3A_311 = tpu.vector_load_idx %arg9[%add3A_144, %broadcast_in_dim3A_310] : memref<256x128xf32, #tpu.memory_space<vmem>>[vector<16xi32>, vector<16xi32>], vector<16xf32>,
      %gather3A_312 = tpu.vector_load_idx %arg10[%add3A_144, %broadcast_in_dim3A_310] : memref<256x128xf32, #tpu.memory_space<vmem>>[vector<16xi32>, vector<16xi32>], vector<16xf32>,
      %mul3A_313 = arith.mulf %gather3A_311, %gather3A_312 : vector<16xf32>
      %add3A_314 = arith.addf %add3A_304, %mul3A_313 : vector<16xf32>
      %mul3A_315 = arith.mulf %gather3A_311, %gather3A_311 : vector<16xf32>
      %add3A_316 = arith.addf %add3A_306, %mul3A_315 : vector<16xf32>
      %mul3A_317 = arith.mulf %gather3A_312, %gather3A_312 : vector<16xf32>
      %add3A_318 = arith.addf %add3A_308, %mul3A_317 : vector<16xf32>
      %broadcast_in_dim3A_319 = arith.constant 17 : i32
      %broadcast_in_dim3A_320 = vector.broadcast %broadcast_in_dim3A_319 : i32 to vector<16xi32>
      %gather3A_321 = tpu.vector_load_idx %arg9[%add3A_144, %broadcast_in_dim3A_320] : memref<256x128xf32, #tpu.memory_space<vmem>>[vector<16xi32>, vector<16xi32>], vector<16xf32>,
      %gather3A_322 = tpu.vector_load_idx %arg10[%add3A_144, %broadcast_in_dim3A_320] : memref<256x128xf32, #tpu.memory_space<vmem>>[vector<16xi32>, vector<16xi32>], vector<16xf32>,
      %mul3A_323 = arith.mulf %gather3A_321, %gather3A_322 : vector<16xf32>
      %add3A_324 = arith.addf %add3A_314, %mul3A_323 : vector<16xf32>
      %mul3A_325 = arith.mulf %gather3A_321, %gather3A_321 : vector<16xf32>
      %add3A_326 = arith.addf %add3A_316, %mul3A_325 : vector<16xf32>
      %mul3A_327 = arith.mulf %gather3A_322, %gather3A_322 : vector<16xf32>
      %add3A_328 = arith.addf %add3A_318, %mul3A_327 : vector<16xf32>
      %broadcast_in_dim3A_329 = arith.constant 18 : i32
      %broadcast_in_dim3A_330 = vector.broadcast %broadcast_in_dim3A_329 : i32 to vector<16xi32>
      %gather3A_331 = tpu.vector_load_idx %arg9[%add3A_144, %broadcast_in_dim3A_330] : memref<256x128xf32, #tpu.memory_space<vmem>>[vector<16xi32>, vector<16xi32>], vector<16xf32>,
      %gather3A_332 = tpu.vector_load_idx %arg10[%add3A_144, %broadcast_in_dim3A_330] : memref<256x128xf32, #tpu.memory_space<vmem>>[vector<16xi32>, vector<16xi32>], vector<16xf32>,
      %mul3A_333 = arith.mulf %gather3A_331, %gather3A_332 : vector<16xf32>
      %add3A_334 = arith.addf %add3A_324, %mul3A_333 : vector<16xf32>
      %mul3A_335 = arith.mulf %gather3A_331, %gather3A_331 : vector<16xf32>
      %add3A_336 = arith.addf %add3A_326, %mul3A_335 : vector<16xf32>
      %mul3A_337 = arith.mulf %gather3A_332, %gather3A_332 : vector<16xf32>
      %add3A_338 = arith.addf %add3A_328, %mul3A_337 : vector<16xf32>
      %broadcast_in_dim3A_339 = arith.constant 19 : i32
      %broadcast_in_dim3A_340 = vector.broadcast %broadcast_in_dim3A_339 : i32 to vector<16xi32>
      %gather3A_341 = tpu.vector_load_idx %arg9[%add3A_144, %broadcast_in_dim3A_340] : memref<256x128xf32, #tpu.memory_space<vmem>>[vector<16xi32>, vector<16xi32>], vector<16xf32>,
      %gather3A_342 = tpu.vector_load_idx %arg10[%add3A_144, %broadcast_in_dim3A_340] : memref<256x128xf32, #tpu.memory_space<vmem>>[vector<16xi32>, vector<16xi32>], vector<16xf32>,
      %mul3A_343 = arith.mulf %gather3A_341, %gather3A_342 : vector<16xf32>
      %add3A_344 = arith.addf %add3A_334, %mul3A_343 : vector<16xf32>
      %mul3A_345 = arith.mulf %gather3A_341, %gather3A_341 : vector<16xf32>
      %add3A_346 = arith.addf %add3A_336, %mul3A_345 : vector<16xf32>
      %mul3A_347 = arith.mulf %gather3A_342, %gather3A_342 : vector<16xf32>
      %add3A_348 = arith.addf %add3A_338, %mul3A_347 : vector<16xf32>
      %max3A = arith.constant 1.000000e-16 : f32
      %max3A_349 = vector.broadcast %max3A : f32 to vector<16xf32>
      %max3A_350 = arith.maximumf %add3A_346, %max3A_349 : vector<16xf32>
      %max3A_351 = arith.constant 1.000000e-16 : f32
      %max3A_352 = vector.broadcast %max3A_351 : f32 to vector<16xf32>
      %max3A_353 = arith.maximumf %add3A_348, %max3A_352 : vector<16xf32>
      %mul3A_354 = arith.mulf %max3A_350, %max3A_353 : vector<16xf32>
      %bitcast3A = vector.bitcast %mul3A_354 : vector<16xf32> to vector<16xi32>
      %shift_right_arithmetic3A = arith.constant 1 : i32
      %shift_right_arithmetic3A_355 = vector.broadcast %shift_right_arithmetic3A : i32 to vector<16xi32>
      %shift_right_arithmetic3A_356 = arith.shrsi %bitcast3A, %shift_right_arithmetic3A_355 : vector<16xi32>
      %sub3A = arith.constant 1597463007 : i32
      %sub3A_357 = vector.broadcast %sub3A : i32 to vector<16xi32>
      %sub3A_358 = arith.subi %sub3A_357, %shift_right_arithmetic3A_356 : vector<16xi32>
      %bitcast3A_359 = vector.bitcast %sub3A_358 : vector<16xi32> to vector<16xf32>
      %mul3A_360 = arith.constant 5.000000e-01 : f32
      %mul3A_361 = vector.broadcast %mul3A_360 : f32 to vector<16xf32>
      %mul3A_362 = arith.mulf %mul3A_361, %mul3A_354 : vector<16xf32>
      %mul3A_363 = arith.mulf %mul3A_362, %bitcast3A_359 : vector<16xf32>
      %mul3A_364 = arith.mulf %mul3A_363, %bitcast3A_359 : vector<16xf32>
      %sub3A_365 = arith.constant 1.500000e+00 : f32
      %sub3A_366 = vector.broadcast %sub3A_365 : f32 to vector<16xf32>
      %sub3A_367 = arith.subf %sub3A_366, %mul3A_364 : vector<16xf32>
      %mul3A_368 = arith.mulf %bitcast3A_359, %sub3A_367 : vector<16xf32>
      %mul3A_369 = arith.constant 5.000000e-01 : f32
      %mul3A_370 = vector.broadcast %mul3A_369 : f32 to vector<16xf32>
      %mul3A_371 = arith.mulf %mul3A_370, %mul3A_354 : vector<16xf32>
      %mul3A_372 = arith.mulf %mul3A_371, %mul3A_368 : vector<16xf32>
      %mul3A_373 = arith.mulf %mul3A_372, %mul3A_368 : vector<16xf32>
      %sub3A_374 = arith.constant 1.500000e+00 : f32
      %sub3A_375 = vector.broadcast %sub3A_374 : f32 to vector<16xf32>
      %sub3A_376 = arith.subf %sub3A_375, %mul3A_373 : vector<16xf32>
      %mul3A_377 = arith.mulf %mul3A_368, %sub3A_376 : vector<16xf32>
      %mul3A_378 = arith.constant 5.000000e-01 : f32
      %mul3A_379 = vector.broadcast %mul3A_378 : f32 to vector<16xf32>
      %mul3A_380 = arith.mulf %mul3A_379, %mul3A_354 : vector<16xf32>
      %mul3A_381 = arith.mulf %mul3A_380, %mul3A_377 : vector<16xf32>
      %mul3A_382 = arith.mulf %mul3A_381, %mul3A_377 : vector<16xf32>
      %sub3A_383 = arith.constant 1.500000e+00 : f32
      %sub3A_384 = vector.broadcast %sub3A_383 : f32 to vector<16xf32>
      %sub3A_385 = arith.subf %sub3A_384, %mul3A_382 : vector<16xf32>
      %mul3A_386 = arith.mulf %mul3A_377, %sub3A_385 : vector<16xf32>
      %mul3A_387 = arith.mulf %add3A_344, %mul3A_386 : vector<16xf32>
      %mul3A_388 = arith.constant 2.000000e+00 : f32
      %mul3A_389 = vector.broadcast %mul3A_388 : f32 to vector<16xf32>
      %mul3A_390 = arith.mulf %mul3A_387, %mul3A_389 : vector<16xf32>
      %add3A_391 = arith.constant 3.000000e+00 : f32
      %add3A_392 = vector.broadcast %add3A_391 : f32 to vector<16xf32>
      %add3A_393 = arith.addf %mul3A_390, %add3A_392 : vector<16xf32>
      %mul3A_394 = arith.constant 16 : i32
      %mul3A_395 = arith.muli %scan3A_140, %mul3A_394 : i32
      %add3A_396 = arith.constant 256 : i32
      %add3A_397 = arith.addi %add3A_396, %mul3A_395 : i32
      %swap3A = arith.index_cast %add3A_397 : i32 to index
      %swap3A_398 = tpu.vector_load %arg11[%swap3A] {strides = array<i32>} : memref<512xf32, #tpu.memory_space<vmem>>, vector<16xf32>,
      tpu.vector_store %arg11[%swap3A], %add3A_393 {strides = array<i32>} : memref<512xf32, #tpu.memory_space<vmem>>, vector<16xf32>,
    }
    %scan3A_139 = arith.constant 16 : i32
    "tpu.region"() ({
      %run_scoped3A = tpu.sem_alloc : memref<!tpu.dma_semaphore, #tpu.memory_space<semaphore_mem>>
      %dma_start3A_140 = tpu.memref_slice %arg6[%mul3A_2] : memref<16384xf32, #tpu.memory_space<hbm>> -> memref<512xf32, #tpu.memory_space<hbm>>
      %dma_start3A_141 = tpu.memref_slice %arg6[%mul3A_2] : memref<16384xf32, #tpu.memory_space<hbm>> -> memref<512xf32, #tpu.memory_space<hbm>>
      tpu.enqueue_dma source(%arg11 : memref<512xf32, #tpu.memory_space<vmem>>) target(%dma_start3A_141 : memref<512xf32, #tpu.memory_space<hbm>>) target_semaphore(%run_scoped3A : memref<!tpu.dma_semaphore, #tpu.memory_space<semaphore_mem>>)
      %dma_wait3A_142 = tpu.memref_slice %arg6[%mul3A_2] : memref<16384xf32, #tpu.memory_space<hbm>> -> memref<512xf32, #tpu.memory_space<hbm>>
      %dma_wait3A_143 = tpu.memref_slice %arg6[%mul3A_2] : memref<16384xf32, #tpu.memory_space<hbm>> -> memref<512xf32, #tpu.memory_space<hbm>>
      tpu.wait_dma2 semaphore(%run_scoped3A : memref<!tpu.dma_semaphore, #tpu.memory_space<semaphore_mem>>) src(%arg11 : memref<512xf32, #tpu.memory_space<vmem>>) dst(%dma_wait3A_143 : memref<512xf32, #tpu.memory_space<hbm>>)
      tpu.yield
    }) : () -> ()
    return
  }
}

</mosaic_0001>

<sc_bundles>
// kernel: kernel.3.cloned.1.call-start
scs
__scs_entry_jumppad:
0x0: {  	(pc) =	sbr.rel $0x88, $3  }
0x1: {  	(tag) =	ssettag $0x0;
	lr =	simm.s32 $0x1  }
0x2: {  	[smem:$0x3F9D] =	sst lr;
	_ =	strace $0xD0000000  }
0x3: {  	_ = 	snop  }
0x4: {  	_ = 	snop  }
0x5: {  	_ = 	snop  }
0x6: {  	_ = 	snop  }
0x7: {  	_ = 	snop  }
__scs_overlays_trampoline_lowered:
0x8: {  	[smem:$0x3FAC] =	sst s0  }
0x9: {  	[smem:$0x3FAD] =	sst s1  }
0xa: {  	[smem:$0x3FAE] =	sst s2  }
0xb: {  	[smem:$0x3FAF] =	sst s3  }
0xc: {  	[smem:$0x3FB0] =	sst s4  }
0xd: {  	[smem:$0x3FB1] =	sst s5  }
0xe: {  	[smem:$0x3FB2] =	sst s6  }
0xf: {  	[smem:$0x3FB3] =	sst s7  }
0x10: {  	[smem:$0x3FB4] =	sst s8  }
0x11: {  	[smem:$0x3FB5] =	sst s9;
	s0 =	simm.s32 @!p0 $0x0  }
0x12: {  	s1 =	sld [smem:$0x3F9B];
	s0 =	simm.s32 @p0 $0x1  }
0x13: {  	[smem:$0x3FB6] =	sst s0;
	s0 =	simm.s32 @!p1 $0x0  }
0x14: {  	s2 =	sld [smem:$0x3F9A];
	s0 =	simm.s32 @p1 $0x1  }
0x15: {  	[smem:$0x3FB7] =	sst s0;
	s0 =	simm.s32 @!p2 $0x0  }
0x16: {  	s3 =	sld [smem:$0x3FDB];
	s0 =	simm.s32 @p2 $0x1  }
0x17: {  	s4 =	simm.s32 $0x1BF5;
	[smem:$0x3FB9] =	sst s0  }
0x18: {  	s0 =	sld [smem:$0x3F9C];
	_ =	swait.ge [sflag:s4], $0x0  }
0x19: {  	s7 =	sld [smem:$0x3F9D]  }
0x1a: {  	s8 =	sadd.s32 $0xFFFFE003, lr  }
0x1b: {  	s9 =	sadd.s32 $0xFFFFFEF7, lr;
	s5 =	simm.s32 $0xFFFFFFFF;
	p2 =	slt.u32 s8, $0xFFFFF086  }
0x1c: {  	p1 =	slt.u32 s9, $0xF7A;
	s5 =	simm.s32 @!p2 $0x0  }
0x1d: {  	s5 =	simm.s32 @p1 $0x1;
	p0 =	seq.s32 s7, s2  }
0x1e: {  	s7 =	smul.u32 @!p0 $0xF7A, s2;
	p2 =	seq.s32 @!p0 s5, $0x0  }
0x1f: {  	s9 =	smul.u32 $0xF7A, s1;
	s8 =	simm.s32 @!p0 $0x1BF5;
	p2 =	por !p2, p0  }
0x20: {  	[sflag:s8] =	ssyncset.s32 @!p0 $0xFFFFF086;
	s6 =	sadd.s32 @!p0 s3, s7;
	s7 =	simm.s32 @!p0 $0x108  }
0x21: {  	s3 =	sadd.s32 s3, s9;
	s6 =	sadd.s32 @!p0 $0x88, s6;
	s7 =	simm.s32 @p2 $0x1082  }
0x22: {  	[simem:s7], [sflag:s8] =	dma.local @!p0 [hbm:s6], $0xF7A  }
0x23: {  	s9 =	sor.u32 $0xD0000000, s2;
	s6 =	simm.s32 $0x108;
	_ =	swait.ge @!p0 [sflag:s8], $0x0  }
0x24: {  	s3 =	sadd.s32 $0x88, s3;
	s6 =	simm.s32 @!p1 $0x1082;
	[sflag:s4] =	ssyncset.s32 $0xFFFFF086  }
0x25: {  	[simem:s6], [sflag:s4] =	dma.local [hbm:s3], $0xF7A  }
0x26: {  	[smem:$0x3F9D] =	sst s1;
	(tag) =	ssettag s2;
	_ =	strace s9  }
0x27: {  	s1 =	sld [smem:$0x3FAD]  }
0x28: {  	s2 =	sld [smem:$0x3FAE]  }
0x29: {  	s4 =	sld [smem:$0x3FB0]  }
0x2a: {  	p0 =	seq.s32 s5, $0x0;
	s5 =	sld [smem:$0x3FB1]  }
0x2b: {  	s6 =	sld [smem:$0x3FB2]  }
0x2c: {  	s7 =	sld [smem:$0x3FB3]  }
0x2d: {  	s3 =	simm.s32 $0x108;
	s8 =	sld [smem:$0x3FB4]  }
0x2e: {  	s3 =	simm.s32 @!p0 $0x1082;
	s9 =	sld [smem:$0x3FB5]  }
0x2f: {  	lr =	sadd.s32 s0, s3;
	s0 =	sld [smem:$0x3FAC]  }
0x30: {  	s3 =	sld [smem:$0x3FAF]  }
0x31: {  	[smem:$0x3FB8] =	sst s10  }
0x32: {  	s10 =	sld [smem:$0x3FB6];
	_ =	sdelay $0x3  }
0x33: {  	p0 =	seq.s32 s10, $0x1;
	s10 =	sld [smem:$0x3FB8];
	_ =	sdelay $0x3  }
0x34: {  	[smem:$0x3FB8] =	sst s10  }
0x35: {  	s10 =	sld [smem:$0x3FB7];
	_ =	sdelay $0x3  }
0x36: {  	p1 =	seq.s32 s10, $0x1;
	s10 =	sld [smem:$0x3FB8];
	_ =	sdelay $0x3  }
0x37: {  	[smem:$0x3FB8] =	sst s10  }
0x38: {  	s10 =	sld [smem:$0x3FB9]  }
0x39: {  	_ = 	snop;
	(pc) =	sbr.ind lr, $3  }
0x3a: {  	_ = 	snop  }
0x3b: {  	_ = 	snop  }
0x3c: {  	p2 =	seq.s32 s10, $0x1;
	s10 =	sld [smem:$0x3FB8]  }
0x3d: {  	_ =	shalt  }
0x3e: {  	_ =	shalt  }
0x3f: {  	_ =	shalt  }
0x40: {  	_ =	shalt  }
0x41: {  	_ =	shalt  }
0x42: {  	_ =	shalt  }
0x43: {  	_ =	shalt  }
0x44: {  	_ =	shalt  }
0x45: {  	_ =	shalt  }
0x46: {  	_ =	shalt  }
0x47: {  	_ =	shalt  }
0x48: {  	_ =	shalt  }
0x49: {  	_ =	shalt  }
0x4a: {  	_ =	shalt  }
0x4b: {  	_ =	shalt  }
0x4c: {  	_ =	shalt  }
0x4d: {  	_ =	shalt  }
0x4e: {  	_ =	shalt  }
0x4f: {  	_ =	shalt  }
0x50: {  	_ =	shalt  }
0x51: {  	_ =	shalt  }
0x52: {  	_ =	shalt  }
0x53: {  	_ =	shalt  }
0x54: {  	_ =	shalt  }
0x55: {  	_ =	shalt  }
0x56: {  	_ =	shalt  }
0x57: {  	_ =	shalt  }
0x58: {  	_ =	shalt  }
0x59: {  	_ =	shalt  }
0x5a: {  	_ =	shalt  }
0x5b: {  	_ =	shalt  }
0x5c: {  	_ =	shalt  }
0x5d: {  	_ =	shalt  }
0x5e: {  	_ =	shalt  }
0x5f: {  	_ =	shalt  }
0x60: {  	_ =	shalt  }
0x61: {  	_ =	shalt  }
0x62: {  	_ =	shalt  }
0x63: {  	_ =	shalt  }
0x64: {  	_ =	shalt  }
0x65: {  	_ =	shalt  }
0x66: {  	_ =	shalt  }
0x67: {  	_ =	shalt  }
0x68: {  	_ =	shalt  }
0x69: {  	_ =	shalt  }
0x6a: {  	_ =	shalt  }
0x6b: {  	_ =	shalt  }
0x6c: {  	_ =	shalt  }
0x6d: {  	_ =	shalt  }
0x6e: {  	_ =	shalt  }
0x6f: {  	_ =	shalt  }
0x70: {  	_ =	shalt  }
0x71: {  	_ =	shalt  }
0x72: {  	_ =	shalt  }
0x73: {  	_ =	shalt  }
0x74: {  	_ =	shalt  }
0x75: {  	_ =	shalt  }
0x76: {  	_ =	shalt  }
0x77: {  	_ =	shalt  }
0x78: {  	_ =	shalt  }
0x79: {  	_ =	shalt  }
0x7a: {  	_ =	shalt  }
0x7b: {  	_ =	shalt  }
0x7c: {  	_ =	shalt  }
0x7d: {  	_ =	shalt  }
0x7e: {  	_ =	shalt  }
0x7f: {  	_ =	shalt  }
0x80: {  	_ =	shalt  }
0x81: {  	_ =	shalt  }
0x82: {  	_ =	shalt  }
0x83: {  	_ =	shalt  }
0x84: {  	_ =	shalt  }
0x85: {  	_ =	shalt  }
0x86: {  	_ =	shalt  }
0x87: {  	_ =	shalt  }
.Lfunc_end0:
.L_simem_size_0:
called_computation_lowered:
.L_overlay_start_0:
0x88: {  	s2 =	sld [smem:$0x3FD9]  }
0x89: {  	s3 =	sld [smem:$0x3FFE];
	_ =	sdelay $0x1  }
0x8a: {  	s1 =	srdreg.scid  }
0x8b: {  	s0 =	sand.u32 $0x1, s1  }
0x8c: {  	s17 =	sshll.u32 s0, $0xA;
	s2 =	sadd.s32 s3, s2  }
0x8d: {  	s2 =	sadd.s32 s2, s17  }
0x8e: {  	[smem:$0x3FC4] =	sst s2  }
0x8f: {  	_ = 	snop  }
0x90: {  	s2 =	sld [smem:$0x3FC9]  }
0x91: {  	s18 =	sld [smem:$0x3FC8]  }
0x92: {  	s4 =	sld [smem:$0x3FD0];
	(tm) =	ssettm $0x1  }
0x93: {  	s5 =	sld [smem:$0x3FFB];
	_ =	sdelay $0x3  }
0x94: {  	_ =	strace s5  }
0x95: {  	s5 =	sld [smem:$0x3FFC];
	_ =	sdelay $0x3  }
0x96: {  	_ =	strace s5  }
0x97: {  	s5 =	sld [smem:$0x3FFD];
	_ =	sdelay $0x3  }
0x98: {  	_ =	strace s5  }
0x99: {  	_ =	strace $0x8FFFFFFF  }
0x9a: {  	s19 =	sld [smem:$0x3FDB];
	_ =	sdelay $0x1  }
0x9b: {  	s6 =	simm.s32 $_scs_section_size  }
0x9c: {  	s7 =	simm.s32 $_size__tile_overlayer_lowered;
	s8 =	simm.s32 $_tile_overlayer_lowered  }
0x9d: {  	s22 =	simm.s32 $0x1BFF;
	s21 =	sshll.u32 s8, $0x1;
	s5 =	sadd.s32 s6, s19  }
0x9e: {  	s9 =	simm.s32 $0x0;
	s20 =	sshll.u32 s7, $0x1;
	s7 =	sadd.s32 s21, s5  }
0x9f: {  	[timem:s9], [sflag:s22] =	dma.local [hbm:s7], s20  }
0xa0: {  	_ =	swait.ge [sflag:s22], s20  }
0xa1: {  	s6 =	ssub.s32 $0x0, s20;
	[sflag:s22] =	ssyncset.done $0x0  }
0xa2: {  	[sflag:s22] =	ssyncadd.s32 s6;
	_ =	sdelay $0x1  }
0xa3: {  	s23 =	simm.s32 $0x1B8B  }
0xa4: {  	_ =	swait.ge [sflag:s23], $0x1  }
0xa5: {  	[sflag:s23] =	ssyncset.done $0x0  }
0xa6: {  	s25 =	simm.s32 $0x1B8E;
	s24 =	sld [smem:$0x3FFE];
	[sflag:s23] =	ssyncadd.s32 $0xFFFFFFFF  }
0xa7: {  	s26 =	simm.s32 $execute0_lowered;
	[smem:$0x3FD2] =	sst s25  }
0xa8: {  	s7 =	sshll.u32 s26, $0x1;
	_ =	strace $0x80000046;
	[dreg:$0x1] =	wrdreg $0xFFFFFFFF  }
0xa9: {  	s28 =	simm.s32 $_size_execute0_lowered;
	s5 =	sadd.s32 s5, s7;
	[dreg:$0x0] =	wrdreg $0x0  }
0xaa: {  	s7 =	sshll.u32 s28, $0x1;
	[dreg:$0x2] =	wrdreg s5  }
0xab: {  	[dreg:$0x3] =	wrdreg s7  }
0xac: {  	[dreg:$0x4] =	wrdreg $0xC0  }
0xad: {  	_ =	task [dreg:s9], $0x5FFFF  }
0xae: {  	[dreg:$0x1] =	wrdreg $0xFFFFFFFF  }
0xaf: {  	[dreg:$0x0] =	wrdreg $0x60  }
0xb0: {  	[dreg:$0x2] =	wrdreg s2  }
0xb1: {  	[dreg:$0x3] =	wrdreg s18  }
0xb2: {  	[dreg:$0x4] =	wrdreg s24  }
0xb3: {  	[dreg:$0x5] =	wrdreg s4  }
0xb4: {  	[dreg:$0x6] =	wrdreg $0x9  }
0xb5: {  	_ =	task.clear_ibuf [dreg:s9], $0x7FFFF;
	_ =	strace $0x90000046  }
0xb6: {  	s29 =	simm.s32 $0x9;
	_ =	strace $0x80000048  }
0xb7: {  	_ =	swait.ge [sflag:s29], $0x1  }
0xb8: {  	[sflag:s29] =	ssyncadd.s32 $0xFFFFFFFF  }
0xb9: {  	_ =	strace $0x90000048  }
0xba: {  	_ =	sfence  }
0xbb: {  	s30 =	sld [smem:$0x0];
	_ =	sdelay $0x2  }
0xbc: {  	s31 =	sshll.u32 s1, $0xD;
	s1 =	sshrl.u32 s1, $0x2  }
0xbd: {  	s3 =	sand.u32 $0x4000, s31;
	s1 =	sadd.s32 s1, s30  }
0xbe: {  	s0 =	sor.u32 s3, s0;
	s1 =	sshll.u32 s1, $0x11  }
0xbf: {  	s0 =	sor.u32 s1, s0  }
0xc0: {  	s0 =	sadd.s32 $0x8F2B, s0  }
0xc1: {  	[sflag:s0] =	ssyncadd.remote.s32 $0x1  }
0xc2: {  	_ =	sfence.sel $0xFFFF  }
0xc3: {  	[dreg:$0x0] =	wrdreg $0xFFFFFFFF;
	(pc) =	sbr.abs _section_cstart, $3  }
0xc4: {  	[dreg:$0x1] =	wrdreg $0xFFFFFFFF  }
0xc5: {  	_ =	task.clear_ibuf [dreg:s9], $0x2FFFF;
	_ =	strace $0x9FFFFFFF  }
0xc6: {  	(tm) =	ssettm $0x7FFFFFFF  }
0xc7: {  	_ =	shalt  }
tec
execute0_lowered:
.L_overlay_start_1:
0x0: {  	(tag) =	ssettag $0x1  }
0x1: {  	s5 =	rddreg [dreg:$0x0]  }
0x2: {  	s6 =	rddreg [dreg:$0x1]  }
0x3: {  	s4 =	rddreg [dreg:$0x2]  }
0x4: {  	s7 =	rddreg [dreg:$0x3]  }
0x5: {  	s0 =	rddreg [dreg:$0x4]  }
0x6: {  	s2 =	simm.s32 $0x0;
	s3 =	srdreg.scid;
	s1 =	stileid.u32  }
0x7: {  	s12 =	simm.s32 $0x400;
	s13 =	simm.s32 $0x8400;
	s14 =	simm.s32 $0x4400  }
0x8: {  	s15 =	simm.s32 $0x280;
	s16 =	simm.s32 $0xC400;
	s17 =	simm.s32 $0x1  }
0x9: {  	s18 =	simm.s32 $0x100;
	s19 =	simm.s32 $0x300;
	s20 =	simm.s32 $0x180  }
0xa: {  	s21 =	simm.s32 $0x380;
	s22 =	simm.s32 $0x10400;
	s23 =	simm.s32 $0x0  }
0xb: {  	[smem:$0x7FF] =	sst s2;
	s3 =	sand.u32 $0x1, s3;
	s9 =	sshll.u32 s1, $0x7  }
0xc: {  	_ =	strace $0x80000047;
	s8 =	ssub.s32 $0x2, s3;
	s10 =	sshll.u32 s3, $0x6  }
0xd: {  	s3 =	sadd.s32 $0x1E84C00, s4;
	s4 =	sadd.s32 $0x400, s4;
	s11 =	sshrl.u32 s8, $0x1  }
0xe: {  	s9 =	sor.u32 s10, s9;
	s10 =	simm.s32 $0x200;
	s8 =	ssub.s32 s8, s11  }
0xf: {  	v0 =	vlaneseq.u32;
	s5 =	sadd.s32 s5, s9;
	s6 =	sadd.s32 s6, s9;
	s7 =	sadd.s32 s7, s9  }
0x10: {  	v0 =	vmul.u32 $0x80, v0;
	s9 =	simm.s32 $0x2;
	s11 =	simm.s32 $0x80;
	s8 =	smax.u32 s8, $0x1  }
.LBB2_1:
0x11: {  	[tilespmem:s2], [sflag:$0x2] =	stream.linear.gather [hbm4b:s5+s2], $0x200, $0x38;
	[tilespmem:$0x10600] =	vst v63  }
0x12: {  	_ =	swait.ge [sflag:s9], $0x200  }
0x13: {  	[sflag:s9] =	ssyncset.done $0x0  }
0x14: {  	[sflag:s9] =	ssyncadd.s32 $0xFFFFFE00  }
0x15: {  	[tilespmem:s10], [sflag:$0x2] =	stream.linear.gather [hbm4b:s6+s2], $0x200, $0x38;
	[tilespmem:$0x10600] =	vst v63  }
0x16: {  	_ =	swait.ge [sflag:s9], $0x200  }
0x17: {  	[sflag:s9] =	ssyncset.done $0x0  }
0x18: {  	[sflag:s9] =	ssyncadd.s32 $0xFFFFFE00  }
0x19: {  	[tilespmem:s12], [sflag:$0x1] =	stream.indirect.gather [hbm4b:s3+s11], $0x80, s2, s11, $0xb8;
	[tilespmem:$0x10600] =	vst v63  }
0x1a: {  	_ = 	snop  }
0x1b: {  	[tilespmem:s13], [sflag:$0x1] =	stream.indirect.gather [hbm4b:s4+s11], $0x80, s10, s11, $0xb8;
	[tilespmem:$0x10600] =	vst v63  }
0x1c: {  	_ = 	snop  }
0x1d: {  	[tilespmem:s14], [sflag:$0x1] =	stream.indirect.gather [hbm4b:s3+s11], $0x80, s11, s11, $0xb8;
	[tilespmem:$0x10600] =	vst v63  }
0x1e: {  	_ = 	snop  }
0x1f: {  	[tilespmem:s16], [sflag:$0x1] =	stream.indirect.gather [hbm4b:s4+s11], $0x80, s15, s11, $0xb8;
	[tilespmem:$0x10600] =	vst v63  }
0x20: {  	_ =	swait.ge [sflag:s17], $0x4000  }
0x21: {  	[sflag:s17] =	ssyncset.done $0x0  }
0x22: {  	[sflag:s17] =	ssyncadd.s32 $0xFFFFC000  }
0x23: {  	_ =	swait.ge [sflag:s17], $0x4000  }
0x24: {  	v1 =	vmov s2;
	[sflag:s17] =	ssyncset.done $0x0  }
0x25: {  	v1 =	vshll.u32 v1, $0x7;
	[sflag:s17] =	ssyncadd.s32 $0xFFFFC000  }
0x26: {  	v1 =	vor.u32 v0, v1;
	_ =	swait.ge [sflag:s17], $0x4000  }
0x27: {  	v2 =	vor.u32 $0x1, v1;
	[sflag:s17] =	ssyncset.done $0x0  }
0x28: {  	[sflag:s17] =	ssyncadd.s32 $0xFFFFC000  }
0x29: {  	_ =	swait.ge [sflag:s17], $0x4000  }
0x2a: {  	[sflag:s17] =	ssyncset.done $0x0  }
0x2b: {  	v3 =	vor.u32 $0x2, v1;
	[sflag:s17] =	ssyncadd.s32 $0xFFFFC000  }
0x2c: {  	v4 =	vld.idx.msk [tilespmem:v2+s13+$0x0], $0xffff  }
0x2d: {  	v5 =	vor.u32 $0x3, v1;
	v2 =	vld.idx.msk [tilespmem:v2+s12+$0x0], $0xffff  }
0x2e: {  	v6 =	vld.idx.msk [tilespmem:v1+s13+$0x0], $0xffff  }
0x2f: {  	v8 =	vor.u32 $0x4, v1;
	v7 =	vld.idx.msk [tilespmem:v1+s12+$0x0], $0xffff  }
0x30: {  	v9 =	vld.idx.msk [tilespmem:v3+s13+$0x0], $0xffff  }
0x31: {  	v10 =	vor.u32 $0x5, v1;
	v3 =	vld.idx.msk [tilespmem:v3+s12+$0x0], $0xffff  }
0x32: {  	v11 =	vld.idx.msk [tilespmem:v5+s13+$0x0], $0xffff  }
0x33: {  	v12 =	vor.u32 $0x6, v1;
	v5 =	vld.idx.msk [tilespmem:v5+s12+$0x0], $0xffff;
	v13 =	vmul.f32 v2, v2;
	v14 =	vmul.f32 v4, v4  }
0x34: {  	v15 =	vld.idx.msk [tilespmem:v8+s13+$0x0], $0xffff;
	v16 =	vmul.f32 v7, v7;
	v17 =	vmul.f32 v6, v6  }
0x35: {  	v18 =	vor.u32 $0x7, v1;
	v8 =	vld.idx.msk [tilespmem:v8+s12+$0x0], $0xffff;
	v19 =	vmul.f32 v9, v9  }
0x36: {  	v20 =	vld.idx.msk [tilespmem:v10+s13+$0x0], $0xffff;
	v32 =	vmul.f32 v3, v3;
	v13 =	vadd.f32 v13, v16;
	v14 =	vadd.f32 v14, v17  }
0x37: {  	v33 =	vor.u32 $0x8, v1;
	v10 =	vld.idx.msk [tilespmem:v10+s12+$0x0], $0xffff;
	v21 =	vmul.f32 v11, v11  }
0x38: {  	v22 =	vld.idx.msk [tilespmem:v12+s13+$0x0], $0xffff;
	v34 =	vmul.f32 v5, v5;
	v13 =	vadd.f32 v32, v13;
	v14 =	vadd.f32 v19, v14  }
0x39: {  	v35 =	vor.u32 $0x9, v1;
	v12 =	vld.idx.msk [tilespmem:v12+s12+$0x0], $0xffff;
	v23 =	vmul.f32 v15, v15  }
0x3a: {  	v24 =	vld.idx.msk [tilespmem:v18+s13+$0x0], $0xffff;
	v36 =	vmul.f32 v8, v8;
	v13 =	vadd.f32 v34, v13;
	v14 =	vadd.f32 v21, v14  }
0x3b: {  	v37 =	vor.u32 $0xA, v1;
	v18 =	vld.idx.msk [tilespmem:v18+s12+$0x0], $0xffff;
	v25 =	vmul.f32 v20, v20  }
0x3c: {  	v26 =	vld.idx.msk [tilespmem:v33+s13+$0x0], $0xffff;
	v38 =	vmul.f32 v10, v10;
	v13 =	vadd.f32 v36, v13;
	v14 =	vadd.f32 v23, v14  }
0x3d: {  	v39 =	vor.u32 $0xB, v1;
	v27 =	vmul.f32 v22, v22;
	v17 =	vld.idx.msk [tilespmem:v33+s12+$0x0], $0xffff  }
0x3e: {  	v28 =	vld.idx.msk [tilespmem:v35+s13+$0x0], $0xffff;
	v40 =	vmul.f32 v12, v12;
	v13 =	vadd.f32 v38, v13;
	v14 =	vadd.f32 v25, v14  }
0x3f: {  	v41 =	vor.u32 $0xC, v1;
	v29 =	vmul.f32 v24, v24;
	v19 =	vld.idx.msk [tilespmem:v35+s12+$0x0], $0xffff  }
0x40: {  	v30 =	vld.idx.msk [tilespmem:v37+s13+$0x0], $0xffff;
	v42 =	vmul.f32 v18, v18;
	v13 =	vadd.f32 v40, v13;
	v14 =	vadd.f32 v27, v14  }
0x41: {  	v43 =	vor.u32 $0xD, v1;
	v31 =	vmul.f32 v26, v26;
	v21 =	vld.idx.msk [tilespmem:v37+s12+$0x0], $0xffff  }
0x42: {  	v32 =	vld.idx.msk [tilespmem:v39+s13+$0x0], $0xffff;
	v44 =	vmul.f32 v17, v17;
	v13 =	vadd.f32 v42, v13;
	v14 =	vadd.f32 v29, v14  }
0x43: {  	v45 =	vor.u32 $0xE, v1;
	v33 =	vmul.f32 v28, v28;
	v23 =	vld.idx.msk [tilespmem:v39+s12+$0x0], $0xffff  }
0x44: {  	v34 =	vld.idx.msk [tilespmem:v41+s13+$0x0], $0xffff;
	v46 =	vmul.f32 v19, v19;
	v13 =	vadd.f32 v44, v13;
	v14 =	vadd.f32 v31, v14  }
0x45: {  	v47 =	vor.u32 $0xF, v1;
	v35 =	vmul.f32 v30, v30;
	v25 =	vld.idx.msk [tilespmem:v41+s12+$0x0], $0xffff  }
0x46: {  	v36 =	vld.idx.msk [tilespmem:v43+s13+$0x0], $0xffff;
	v48 =	vmul.f32 v21, v21;
	v13 =	vadd.f32 v46, v13;
	v14 =	vadd.f32 v33, v14  }
0x47: {  	v49 =	vor.u32 $0x10, v1;
	v37 =	vmul.f32 v32, v32;
	v27 =	vld.idx.msk [tilespmem:v43+s12+$0x0], $0xffff  }
0x48: {  	v38 =	vld.idx.msk [tilespmem:v45+s13+$0x0], $0xffff;
	v50 =	vmul.f32 v23, v23;
	v13 =	vadd.f32 v48, v13;
	v14 =	vadd.f32 v35, v14  }
0x49: {  	v51 =	vor.u32 $0x11, v1;
	v39 =	vmul.f32 v34, v34;
	v29 =	vld.idx.msk [tilespmem:v45+s12+$0x0], $0xffff  }
0x4a: {  	v40 =	vld.idx.msk [tilespmem:v47+s13+$0x0], $0xffff;
	v52 =	vmul.f32 v25, v25;
	v13 =	vadd.f32 v50, v13;
	v14 =	vadd.f32 v37, v14  }
0x4b: {  	v53 =	vor.u32 $0x12, v1;
	v41 =	vmul.f32 v36, v36;
	v31 =	vld.idx.msk [tilespmem:v47+s12+$0x0], $0xffff  }
0x4c: {  	v42 =	vld.idx.msk [tilespmem:v49+s13+$0x0], $0xffff;
	v54 =	vmul.f32 v27, v27;
	v13 =	vadd.f32 v52, v13;
	v14 =	vadd.f32 v39, v14  }
0x4d: {  	v1 =	vor.u32 $0x13, v1;
	v6 =	vmul.f32 v6, v7;
	v55 =	vmul.f32 v38, v38;
	v33 =	vld.idx.msk [tilespmem:v49+s12+$0x0], $0xffff  }
0x4e: {  	v43 =	vld.idx.msk [tilespmem:v51+s13+$0x0], $0xffff;
	v56 =	vmul.f32 v29, v29;
	v13 =	vadd.f32 v54, v13;
	v14 =	vadd.f32 v41, v14  }
0x4f: {  	v2 =	vmul.f32 v4, v2;
	v6 =	vadd.f32 $0.0e+00, v6;
	v57 =	vmul.f32 v40, v40;
	v35 =	vld.idx.msk [tilespmem:v51+s12+$0x0], $0xffff  }
0x50: {  	v58 =	vld.idx.msk [tilespmem:v53+s13+$0x0], $0xffff;
	v59 =	vmul.f32 v31, v31;
	v13 =	vadd.f32 v56, v13;
	v14 =	vadd.f32 v55, v14  }
0x51: {  	v3 =	vmul.f32 v9, v3;
	v2 =	vadd.f32 v2, v6;
	v4 =	vmul.f32 v42, v42;
	v37 =	vld.idx.msk [tilespmem:v53+s12+$0x0], $0xffff  }
0x52: {  	v60 =	vld.idx.msk [tilespmem:v1+s13+$0x0], $0xffff;
	v61 =	vmul.f32 v33, v33;
	v13 =	vadd.f32 v59, v13;
	v7 =	vadd.f32 v57, v14  }
0x53: {  	v1 =	vld.idx.msk [tilespmem:v1+s12+$0x0], $0xffff;
	v2 =	vadd.f32 v3, v2;
	v3 =	vmul.f32 v11, v5;
	v62 =	vmul.f32 v43, v43  }
0x54: {  	v63 =	vadd.f32 v61, v13;
	v4 =	vadd.f32 v4, v7;
	v13 =	vmul.f32 v35, v35  }
0x55: {  	v5 =	vmul.f32 v58, v58;
	v2 =	vadd.f32 v3, v2;
	v3 =	vmul.f32 v15, v8  }
0x56: {  	v14 =	vmul.f32 v37, v37;
	v7 =	vadd.f32 v13, v63;
	v4 =	vadd.f32 v62, v4  }
0x57: {  	v16 =	vmul.f32 v60, v60;
	v2 =	vadd.f32 v3, v2;
	v3 =	vmul.f32 v20, v10  }
0x58: {  	v6 =	vadd.f32 v14, v7;
	v4 =	vadd.f32 v5, v4;
	v5 =	vmul.f32 v1, v1  }
0x59: {  	v2 =	vadd.f32 v3, v2;
	v3 =	vmul.f32 v22, v12  }
0x5a: {  	v5 =	vadd.f32 v5, v6;
	v4 =	vadd.f32 v16, v4  }
0x5b: {  	v2 =	vadd.f32 v3, v2  }
0x5c: {  	v3 =	vmul.f32 v24, v18;
	v5 =	vmax.f32 v5, $1.000000020e-16;
	v4 =	vmax.f32 v4, $1.000000020e-16  }
0x5d: {  	v4 =	vmul.f32 v4, v5  }
0x5e: {  	v2 =	vadd.f32 v3, v2  }
0x5f: {  	v5 =	vmul.f32 v26, v17;
	v3 =	vshra.s32 v4, $0x1;
	v4 =	vmul.f32 $5.000000000e-01, v4  }
0x60: {  	v3 =	vsub.s32 $0x5F3759DF, v3  }
0x61: {  	v2 =	vadd.f32 v5, v2;
	v5 =	vmul.f32 v28, v19;
	v24 =	vmul.f32 v3, v4;
	_ =	sdelay $0x1  }
0x62: {  	v2 =	vadd.f32 v5, v2;
	v5 =	vmul.f32 v30, v21;
	v6 =	vmul.f32 v3, v24;
	_ =	sdelay $0x1  }
0x63: {  	v2 =	vadd.f32 v5, v2;
	v5 =	vmul.f32 v32, v23;
	v6 =	vsub.f32 $1.500000000e+00, v6;
	_ =	sdelay $0x1  }
0x64: {  	v2 =	vadd.f32 v5, v2;
	v5 =	vmul.f32 v34, v25;
	v3 =	vmul.f32 v3, v6;
	_ =	sdelay $0x1  }
0x65: {  	v2 =	vadd.f32 v5, v2;
	v5 =	vmul.f32 v36, v27;
	v6 =	vmul.f32 v3, v4;
	_ =	sdelay $0x1  }
0x66: {  	v2 =	vadd.f32 v5, v2;
	v5 =	vmul.f32 v38, v29;
	v6 =	vmul.f32 v6, v3;
	_ =	sdelay $0x1  }
0x67: {  	v2 =	vadd.f32 v5, v2;
	v5 =	vmul.f32 v40, v31;
	v6 =	vsub.f32 $1.500000000e+00, v6;
	_ =	sdelay $0x1  }
0x68: {  	v2 =	vadd.f32 v5, v2;
	v5 =	vmul.f32 v42, v33;
	v3 =	vmul.f32 v6, v3;
	_ =	sdelay $0x1  }
0x69: {  	v2 =	vadd.f32 v5, v2;
	v5 =	vmul.f32 v43, v35;
	v4 =	vmul.f32 v3, v4;
	_ =	sdelay $0x1  }
0x6a: {  	v2 =	vadd.f32 v5, v2;
	v5 =	vmul.f32 v58, v37;
	v4 =	vmul.f32 v4, v3;
	_ =	sdelay $0x1  }
0x6b: {  	v1 =	vmul.f32 v60, v1;
	v2 =	vadd.f32 v5, v2;
	v4 =	vsub.f32 $1.500000000e+00, v4;
	_ =	sdelay $0x1  }
0x6c: {  	s24 =	simm.s32 $0x10;
	v1 =	vadd.f32 v1, v2;
	v2 =	vmul.f32 v4, v3  }
0x6d: {  	v3 =	vmov s24  }
0x6e: {  	v3 =	vshll.u32 v3, $0x7;
	v1 =	vmul.f32 v2, v1  }
0x6f: {  	v2 =	vor.u32 v0, v3  }
0x70: {  	v3 =	vor.u32 $0x1, v2;
	v1 =	vadd.f32 v1, v1;
	_ =	sdelay $0x1  }
0x71: {  	v1 =	vadd.f32 $3.000000000e+00, v1;
	_ =	sdelay $0x1  }
0x72: {  	v4 =	vor.u32 $0x2, v2;
	[tilespmem:s22+$0x0] =	vst v1  }
0x73: {  	v1 =	vld.idx.msk [tilespmem:v3+s13+$0x0], $0xffff  }
0x74: {  	v5 =	vor.u32 $0x3, v2;
	v3 =	vld.idx.msk [tilespmem:v3+s12+$0x0], $0xffff  }
0x75: {  	v6 =	vld.idx.msk [tilespmem:v2+s13+$0x0], $0xffff  }
0x76: {  	v25 =	vor.u32 $0x4, v2;
	v7 =	vld.idx.msk [tilespmem:v2+s12+$0x0], $0xffff  }
0x77: {  	v9 =	vld.idx.msk [tilespmem:v4+s13+$0x0], $0xffff  }
0x78: {  	v26 =	vor.u32 $0x5, v2;
	v4 =	vld.idx.msk [tilespmem:v4+s12+$0x0], $0xffff  }
0x79: {  	v11 =	vld.idx.msk [tilespmem:v5+s13+$0x0], $0xffff  }
0x7a: {  	v27 =	vor.u32 $0x6, v2;
	v5 =	vld.idx.msk [tilespmem:v5+s12+$0x0], $0xffff;
	v28 =	vmul.f32 v3, v3;
	v29 =	vmul.f32 v1, v1  }
0x7b: {  	v15 =	vld.idx.msk [tilespmem:v25+s13+$0x0], $0xffff;
	v30 =	vmul.f32 v7, v7;
	v31 =	vmul.f32 v6, v6  }
0x7c: {  	v32 =	vor.u32 $0x7, v2;
	v8 =	vld.idx.msk [tilespmem:v25+s12+$0x0], $0xffff;
	v33 =	vmul.f32 v9, v9  }
0x7d: {  	v20 =	vld.idx.msk [tilespmem:v26+s13+$0x0], $0xffff;
	v34 =	vmul.f32 v4, v4;
	v13 =	vadd.f32 v28, v30;
	v14 =	vadd.f32 v29, v31  }
0x7e: {  	v35 =	vor.u32 $0x8, v2;
	v10 =	vld.idx.msk [tilespmem:v26+s12+$0x0], $0xffff;
	v36 =	vmul.f32 v11, v11  }
0x7f: {  	v22 =	vld.idx.msk [tilespmem:v27+s13+$0x0], $0xffff;
	v37 =	vmul.f32 v5, v5;
	v13 =	vadd.f32 v34, v13;
	v14 =	vadd.f32 v33, v14  }
0x80: {  	v38 =	vor.u32 $0x9, v2;
	v12 =	vld.idx.msk [tilespmem:v27+s12+$0x0], $0xffff;
	v39 =	vmul.f32 v15, v15  }
0x81: {  	v24 =	vld.idx.msk [tilespmem:v32+s13+$0x0], $0xffff;
	v40 =	vmul.f32 v8, v8;
	v13 =	vadd.f32 v37, v13;
	v14 =	vadd.f32 v36, v14  }
0x82: {  	v41 =	vor.u32 $0xA, v2;
	v18 =	vld.idx.msk [tilespmem:v32+s12+$0x0], $0xffff;
	v42 =	vmul.f32 v20, v20  }
0x83: {  	v26 =	vld.idx.msk [tilespmem:v35+s13+$0x0], $0xffff;
	v43 =	vmul.f32 v10, v10;
	v13 =	vadd.f32 v40, v13;
	v14 =	vadd.f32 v39, v14  }
0x84: {  	v44 =	vor.u32 $0xB, v2;
	v17 =	vld.idx.msk [tilespmem:v35+s12+$0x0], $0xffff;
	v45 =	vmul.f32 v22, v22  }
0x85: {  	v19 =	vld.idx.msk [tilespmem:v38+s12+$0x0], $0xffff;
	v46 =	vmul.f32 v12, v12;
	v13 =	vadd.f32 v43, v13;
	v14 =	vadd.f32 v42, v14  }
0x86: {  	v47 =	vor.u32 $0xC, v2;
	v48 =	vmul.f32 v24, v24;
	v28 =	vld.idx.msk [tilespmem:v38+s13+$0x0], $0xffff  }
0x87: {  	v21 =	vld.idx.msk [tilespmem:v41+s12+$0x0], $0xffff;
	v49 =	vmul.f32 v18, v18;
	v13 =	vadd.f32 v46, v13;
	v14 =	vadd.f32 v45, v14  }
0x88: {  	v50 =	vor.u32 $0xD, v2;
	v51 =	vmul.f32 v26, v26;
	v30 =	vld.idx.msk [tilespmem:v41+s13+$0x0], $0xffff  }
0x89: {  	v32 =	vld.idx.msk [tilespmem:v44+s13+$0x0], $0xffff;
	v52 =	vmul.f32 v17, v17;
	v13 =	vadd.f32 v49, v13;
	v14 =	vadd.f32 v48, v14  }
0x8a: {  	v53 =	vor.u32 $0xE, v2;
	v23 =	vld.idx.msk [tilespmem:v44+s12+$0x0], $0xffff;
	v55 =	vmul.f32 v19, v19  }
0x8b: {  	v34 =	vld.idx.msk [tilespmem:v47+s13+$0x0], $0xffff;
	v54 =	vmul.f32 v28, v28;
	v13 =	vadd.f32 v52, v13;
	v14 =	vadd.f32 v51, v14  }
0x8c: {  	v56 =	vor.u32 $0xF, v2;
	v25 =	vld.idx.msk [tilespmem:v47+s12+$0x0], $0xffff;
	v58 =	vmul.f32 v21, v21  }
0x8d: {  	v36 =	vld.idx.msk [tilespmem:v50+s13+$0x0], $0xffff;
	v57 =	vmul.f32 v30, v30;
	v13 =	vadd.f32 v55, v13;
	v14 =	vadd.f32 v54, v14  }
0x8e: {  	v59 =	vor.u32 $0x10, v2;
	v27 =	vld.idx.msk [tilespmem:v50+s12+$0x0], $0xffff;
	v60 =	vmul.f32 v32, v32  }
0x8f: {  	v61 =	vmul.f32 v23, v23;
	v38 =	vld.idx.msk [tilespmem:v53+s13+$0x0], $0xffff;
	v13 =	vadd.f32 v58, v13;
	v14 =	vadd.f32 v57, v14  }
0x90: {  	v62 =	vor.u32 $0x11, v2;
	v29 =	vld.idx.msk [tilespmem:v53+s12+$0x0], $0xffff;
	v63 =	vmul.f32 v34, v34  }
0x91: {  	v40 =	vld.idx.msk [tilespmem:v56+s13+$0x0], $0xffff;
	v45 =	vmul.f32 v25, v25;
	v13 =	vadd.f32 v61, v13;
	v14 =	vadd.f32 v60, v14  }
0x92: {  	v31 =	vld.idx.msk [tilespmem:v56+s12+$0x0], $0xffff;
	v47 =	vmul.f32 v36, v36;
	v46 =	vor.u32 $0x12, v2  }
0x93: {  	v48 =	vld.idx.msk [tilespmem:v59+s13+$0x0], $0xffff;
	v49 =	vmul.f32 v27, v27;
	v13 =	vadd.f32 v45, v13;
	v14 =	vadd.f32 v63, v14  }
0x94: {  	v6 =	vmul.f32 v6, v7;
	v33 =	vld.idx.msk [tilespmem:v59+s12+$0x0], $0xffff;
	v50 =	vmul.f32 v38, v38;
	v2 =	vor.u32 $0x13, v2  }
0x95: {  	v51 =	vld.idx.msk [tilespmem:v62+s13+$0x0], $0xffff;
	v52 =	vmul.f32 v29, v29;
	v13 =	vadd.f32 v49, v13;
	v14 =	vadd.f32 v47, v14  }
0x96: {  	v35 =	vld.idx.msk [tilespmem:v62+s12+$0x0], $0xffff;
	v1 =	vmul.f32 v1, v3;
	v6 =	vadd.f32 $0.0e+00, v6;
	v53 =	vmul.f32 v40, v40  }
0x97: {  	v37 =	vld.idx.msk [tilespmem:v46+s12+$0x0], $0xffff;
	v55 =	vmul.f32 v31, v31;
	v13 =	vadd.f32 v52, v13;
	v14 =	vadd.f32 v50, v14  }
0x98: {  	v4 =	vmul.f32 v9, v4;
	v1 =	vadd.f32 v1, v6;
	v54 =	vld.idx.msk [tilespmem:v46+s13+$0x0], $0xffff;
	v3 =	vmul.f32 v48, v48  }
0x99: {  	v56 =	vld.idx.msk [tilespmem:v2+s13+$0x0], $0xffff;
	v57 =	vmul.f32 v33, v33;
	v13 =	vadd.f32 v55, v13;
	v7 =	vadd.f32 v53, v14  }
0x9a: {  	v1 =	vadd.f32 v4, v1;
	v4 =	vmul.f32 v11, v5;
	v2 =	vld.idx.msk [tilespmem:v2+s12+$0x0], $0xffff;
	v58 =	vmul.f32 v51, v51  }
0x9b: {  	v60 =	vmul.f32 v35, v35;
	v59 =	vadd.f32 v57, v13;
	v3 =	vadd.f32 v3, v7  }
0x9c: {  	v1 =	vadd.f32 v4, v1;
	v4 =	vmul.f32 v15, v8;
	v61 =	vmul.f32 v37, v37  }
0x9d: {  	v5 =	vmul.f32 v54, v54;
	v7 =	vadd.f32 v60, v59;
	v3 =	vadd.f32 v58, v3  }
0x9e: {  	v1 =	vadd.f32 v4, v1;
	v4 =	vmul.f32 v20, v10;
	v62 =	vmul.f32 v56, v56  }
0x9f: {  	v6 =	vadd.f32 v61, v7;
	v3 =	vadd.f32 v5, v3;
	v5 =	vmul.f32 v2, v2  }
0xa0: {  	v1 =	vadd.f32 v4, v1;
	v4 =	vmul.f32 v22, v12  }
0xa1: {  	v5 =	vadd.f32 v5, v6;
	v3 =	vadd.f32 v62, v3  }
0xa2: {  	v1 =	vadd.f32 v4, v1  }
0xa3: {  	v4 =	vmul.f32 v24, v18;
	v5 =	vmax.f32 v5, $1.000000020e-16;
	v3 =	vmax.f32 v3, $1.000000020e-16  }
0xa4: {  	v3 =	vmul.f32 v3, v5  }
0xa5: {  	v1 =	vadd.f32 v4, v1  }
0xa6: {  	v5 =	vmul.f32 v26, v17;
	v4 =	vshra.s32 v3, $0x1;
	v3 =	vmul.f32 $5.000000000e-01, v3  }
0xa7: {  	v4 =	vsub.s32 $0x5F3759DF, v4  }
0xa8: {  	v1 =	vadd.f32 v5, v1;
	v5 =	vmul.f32 v28, v19;
	v63 =	vmul.f32 v4, v3;
	_ =	sdelay $0x1  }
0xa9: {  	v1 =	vadd.f32 v5, v1;
	v5 =	vmul.f32 v30, v21;
	v6 =	vmul.f32 v4, v63;
	_ =	sdelay $0x1  }
0xaa: {  	v1 =	vadd.f32 v5, v1;
	v5 =	vmul.f32 v32, v23;
	v6 =	vsub.f32 $1.500000000e+00, v6;
	_ =	sdelay $0x1  }
0xab: {  	v1 =	vadd.f32 v5, v1;
	v5 =	vmul.f32 v34, v25;
	v4 =	vmul.f32 v4, v6;
	_ =	sdelay $0x1  }
0xac: {  	v1 =	vadd.f32 v5, v1;
	v5 =	vmul.f32 v36, v27;
	v6 =	vmul.f32 v4, v3;
	_ =	sdelay $0x1  }
0xad: {  	v1 =	vadd.f32 v5, v1;
	v5 =	vmul.f32 v38, v29;
	v6 =	vmul.f32 v6, v4;
	_ =	sdelay $0x1  }
0xae: {  	v1 =	vadd.f32 v5, v1;
	v5 =	vmul.f32 v40, v31;
	v6 =	vsub.f32 $1.500000000e+00, v6;
	_ =	sdelay $0x1  }
0xaf: {  	v1 =	vadd.f32 v5, v1;
	v5 =	vmul.f32 v48, v33;
	v4 =	vmul.f32 v6, v4;
	_ =	sdelay $0x1  }
0xb0: {  	v1 =	vadd.f32 v5, v1;
	v5 =	vmul.f32 v51, v35;
	v3 =	vmul.f32 v4, v3;
	_ =	sdelay $0x1  }
0xb1: {  	v1 =	vadd.f32 v5, v1;
	v5 =	vmul.f32 v54, v37;
	v3 =	vmul.f32 v3, v4;
	_ =	sdelay $0x1  }
0xb2: {  	v2 =	vmul.f32 v56, v2;
	v1 =	vadd.f32 v5, v1;
	v3 =	vsub.f32 $1.500000000e+00, v3;
	_ =	sdelay $0x1  }
0xb3: {  	s31 =	simm.s32 $0x20;
	v1 =	vadd.f32 v2, v1;
	v2 =	vmul.f32 v3, v4  }
0xb4: {  	v3 =	vmov s31  }
0xb5: {  	v3 =	vshll.u32 v3, $0x7;
	v4 =	vmul.f32 v2, v1  }
0xb6: {  	v1 =	vor.u32 v0, v3  }
0xb7: {  	s25 =	simm.s32 $0x30;
	s24 =	simm.s32 $0x10400;
	v2 =	vor.u32 $0x1, v1;
	v3 =	vadd.f32 v4, v4  }
.LBB2_2:
0xb8: {  	p0 =	sne.s32 s25, $0xF0  }
0xb9: {  	v3 =	vadd.f32 $3.000000000e+00, v3  }
0xba: {  	s24 =	sadd.s32 $0x10, s24  }
0xbb: {  	v4 =	vor.u32 $0x2, v1;
	[tilespmem:s24+$0x0] =	vst v3  }
0xbc: {  	v7 =	vld.idx.msk [tilespmem:v2+s13+$0x0], $0xffff  }
0xbd: {  	v10 =	vld.idx.msk [tilespmem:v2+s12+$0x0], $0xffff;
	v2 =	vor.u32 $0x3, v1  }
0xbe: {  	v21 =	vld.idx.msk [tilespmem:v1+s13+$0x0], $0xffff  }
0xbf: {  	v3 =	vor.u32 $0x4, v1;
	v23 =	vld.idx.msk [tilespmem:v1+s12+$0x0], $0xffff  }
0xc0: {  	v8 =	vld.idx.msk [tilespmem:v4+s13+$0x0], $0xffff  }
0xc1: {  	v6 =	vor.u32 $0x5, v1;
	v11 =	vld.idx.msk [tilespmem:v4+s12+$0x0], $0xffff  }
0xc2: {  	v4 =	vld.idx.msk [tilespmem:v2+s13+$0x0], $0xffff  }
0xc3: {  	v13 =	vor.u32 $0x6, v1;
	v5 =	vld.idx.msk [tilespmem:v2+s12+$0x0], $0xffff  }
0xc4: {  	v14 =	vmul.f32 v7, v7;
	v12 =	vmul.f32 v10, v10;
	v2 =	vld.idx.msk [tilespmem:v3+s13+$0x0], $0xffff  }
0xc5: {  	v17 =	vor.u32 $0x7, v1;
	v16 =	vmul.f32 v21, v21;
	v15 =	vmul.f32 v23, v23;
	v9 =	vld.idx.msk [tilespmem:v3+s12+$0x0], $0xffff  }
0xc6: {  	v19 =	vor.u32 $0x8, v1;
	v18 =	vmul.f32 v8, v8;
	v3 =	vld.idx.msk [tilespmem:v6+s13+$0x0], $0xffff  }
0xc7: {  	v14 =	vadd.f32 v14, v16;
	v15 =	vadd.f32 v12, v15;
	v16 =	vmul.f32 v11, v11;
	v12 =	vld.idx.msk [tilespmem:v6+s12+$0x0], $0xffff  }
0xc8: {  	v22 =	vor.u32 $0x9, v1;
	v20 =	vmul.f32 v4, v4;
	v6 =	vld.idx.msk [tilespmem:v13+s13+$0x0], $0xffff  }
0xc9: {  	v15 =	vadd.f32 v16, v15;
	v16 =	vadd.f32 v18, v14;
	v18 =	vmul.f32 v5, v5;
	v14 =	vld.idx.msk [tilespmem:v13+s12+$0x0], $0xffff  }
0xca: {  	v25 =	vor.u32 $0xA, v1;
	v24 =	vmul.f32 v2, v2;
	v13 =	vld.idx.msk [tilespmem:v17+s13+$0x0], $0xffff  }
0xcb: {  	v18 =	vadd.f32 v18, v15;
	v20 =	vadd.f32 v20, v16;
	v26 =	vmul.f32 v9, v9;
	v15 =	vld.idx.msk [tilespmem:v17+s12+$0x0], $0xffff  }
0xcc: {  	v28 =	vor.u32 $0xB, v1;
	v27 =	vmul.f32 v3, v3;
	v16 =	vld.idx.msk [tilespmem:v19+s13+$0x0], $0xffff  }
0xcd: {  	v18 =	vadd.f32 v26, v18;
	v20 =	vadd.f32 v24, v20;
	v24 =	vmul.f32 v12, v12;
	v19 =	vld.idx.msk [tilespmem:v19+s12+$0x0], $0xffff  }
0xce: {  	v29 =	vor.u32 $0xC, v1;
	v26 =	vmul.f32 v6, v6;
	v17 =	vld.idx.msk [tilespmem:v22+s13+$0x0], $0xffff  }
0xcf: {  	v24 =	vadd.f32 v24, v18;
	v27 =	vadd.f32 v27, v20;
	v30 =	vmul.f32 v14, v14;
	v20 =	vld.idx.msk [tilespmem:v22+s12+$0x0], $0xffff  }
0xd0: {  	v32 =	vor.u32 $0xD, v1;
	v31 =	vmul.f32 v13, v13;
	v18 =	vld.idx.msk [tilespmem:v25+s13+$0x0], $0xffff  }
0xd1: {  	v30 =	vadd.f32 v30, v24;
	v26 =	vadd.f32 v26, v27;
	v27 =	vmul.f32 v15, v15;
	v24 =	vld.idx.msk [tilespmem:v25+s12+$0x0], $0xffff  }
0xd2: {  	v34 =	vor.u32 $0xE, v1;
	v33 =	vmul.f32 v16, v16;
	v22 =	vld.idx.msk [tilespmem:v28+s13+$0x0], $0xffff  }
0xd3: {  	v27 =	vadd.f32 v27, v30;
	v30 =	vadd.f32 v31, v26;
	v31 =	vmul.f32 v19, v19;
	v26 =	vld.idx.msk [tilespmem:v28+s12+$0x0], $0xffff  }
0xd4: {  	v36 =	vor.u32 $0xF, v1;
	v35 =	vmul.f32 v17, v17;
	v25 =	vld.idx.msk [tilespmem:v29+s13+$0x0], $0xffff  }
0xd5: {  	v31 =	vadd.f32 v31, v27;
	v30 =	vadd.f32 v33, v30;
	v33 =	vmul.f32 v20, v20;
	v28 =	vld.idx.msk [tilespmem:v29+s12+$0x0], $0xffff  }
0xd6: {  	v37 =	vor.u32 $0x10, v1;
	v29 =	vmul.f32 v18, v18;
	v27 =	vld.idx.msk [tilespmem:v32+s13+$0x0], $0xffff  }
0xd7: {  	v31 =	vadd.f32 v33, v31;
	v30 =	vadd.f32 v35, v30;
	v33 =	vmul.f32 v24, v24;
	v32 =	vld.idx.msk [tilespmem:v32+s12+$0x0], $0xffff  }
0xd8: {  	v39 =	vor.u32 $0x11, v1;
	v35 =	vmul.f32 v22, v22;
	v38 =	vld.idx.msk [tilespmem:v34+s13+$0x0], $0xffff  }
0xd9: {  	v31 =	vadd.f32 v33, v31;
	v29 =	vadd.f32 v29, v30;
	v30 =	vmul.f32 v26, v26;
	v33 =	vld.idx.msk [tilespmem:v34+s12+$0x0], $0xffff  }
0xda: {  	v41 =	vor.u32 $0x12, v1;
	v34 =	vmul.f32 v25, v25;
	v40 =	vld.idx.msk [tilespmem:v36+s13+$0x0], $0xffff  }
0xdb: {  	v30 =	vadd.f32 v30, v31;
	v29 =	vadd.f32 v35, v29;
	v31 =	vmul.f32 v28, v28;
	v35 =	vld.idx.msk [tilespmem:v36+s12+$0x0], $0xffff  }
0xdc: {  	v1 =	vor.u32 $0x13, v1;
	v36 =	vmul.f32 v27, v27;
	v42 =	vld.idx.msk [tilespmem:v37+s13+$0x0], $0xffff  }
0xdd: {  	v30 =	vadd.f32 v31, v30;
	v29 =	vadd.f32 v34, v29;
	v31 =	vmul.f32 v32, v32;
	v34 =	vld.idx.msk [tilespmem:v37+s12+$0x0], $0xffff  }
0xde: {  	v37 =	vmul.f32 v38, v38;
	v43 =	vld.idx.msk [tilespmem:v39+s13+$0x0], $0xffff  }
0xdf: {  	v30 =	vadd.f32 v31, v30;
	v29 =	vadd.f32 v36, v29;
	v31 =	vmul.f32 v33, v33;
	v36 =	vld.idx.msk [tilespmem:v39+s12+$0x0], $0xffff  }
0xe0: {  	v21 =	vmul.f32 v21, v23;
	v23 =	vmul.f32 v40, v40;
	v39 =	vld.idx.msk [tilespmem:v41+s13+$0x0], $0xffff  }
0xe1: {  	v30 =	vadd.f32 v31, v30;
	v29 =	vadd.f32 v37, v29;
	v31 =	vmul.f32 v35, v35;
	v37 =	vld.idx.msk [tilespmem:v41+s12+$0x0], $0xffff  }
0xe2: {  	v7 =	vmul.f32 v7, v10;
	v21 =	vadd.f32 $0.0e+00, v21;
	v10 =	vmul.f32 v42, v42;
	v41 =	vld.idx.msk [tilespmem:v1+s13+$0x0], $0xffff  }
0xe3: {  	v30 =	vadd.f32 v31, v30;
	v23 =	vadd.f32 v23, v29;
	v29 =	vmul.f32 v34, v34;
	v1 =	vld.idx.msk [tilespmem:v1+s12+$0x0], $0xffff  }
0xe4: {  	v8 =	vmul.f32 v8, v11;
	v7 =	vadd.f32 v7, v21;
	v11 =	vmul.f32 v43, v43  }
0xe5: {  	v21 =	vadd.f32 v29, v30;
	v10 =	vadd.f32 v10, v23;
	v23 =	vmul.f32 v36, v36  }
0xe6: {  	v4 =	vmul.f32 v4, v5;
	v7 =	vadd.f32 v8, v7;
	v5 =	vmul.f32 v39, v39  }
0xe7: {  	v8 =	vadd.f32 v23, v21;
	v10 =	vadd.f32 v11, v10;
	v11 =	vmul.f32 v37, v37  }
0xe8: {  	v2 =	vmul.f32 v2, v9;
	v4 =	vadd.f32 v4, v7;
	v7 =	vmul.f32 v41, v41  }
0xe9: {  	v8 =	vadd.f32 v11, v8;
	v5 =	vadd.f32 v5, v10;
	v9 =	vmul.f32 v1, v1  }
0xea: {  	v3 =	vmul.f32 v3, v12;
	v2 =	vadd.f32 v2, v4  }
0xeb: {  	v4 =	vadd.f32 v9, v8;
	v5 =	vadd.f32 v7, v5  }
0xec: {  	v2 =	vadd.f32 v3, v2;
	v3 =	vmul.f32 v6, v14  }
0xed: {  	v4 =	vmax.f32 v4, $1.000000020e-16;
	v5 =	vmax.f32 v5, $1.000000020e-16  }
0xee: {  	v2 =	vadd.f32 v3, v2;
	v3 =	vmul.f32 v13, v15;
	v4 =	vmul.f32 v5, v4  }
0xef: {  	v5 =	vmul.f32 v16, v19  }
0xf0: {  	v2 =	vadd.f32 v3, v2;
	v3 =	vshra.s32 v4, $0x1;
	v4 =	vmul.f32 $5.000000000e-01, v4  }
0xf1: {  	v3 =	vsub.s32 $0x5F3759DF, v3  }
0xf2: {  	v2 =	vadd.f32 v5, v2;
	v5 =	vmul.f32 v17, v20;
	v6 =	vmul.f32 v3, v4;
	_ =	sdelay $0x1  }
0xf3: {  	v2 =	vadd.f32 v5, v2;
	v5 =	vmul.f32 v18, v24;
	v6 =	vmul.f32 v3, v6;
	_ =	sdelay $0x1  }
0xf4: {  	v2 =	vadd.f32 v5, v2;
	v5 =	vmul.f32 v22, v26;
	v6 =	vsub.f32 $1.500000000e+00, v6;
	_ =	sdelay $0x1  }
0xf5: {  	v2 =	vadd.f32 v5, v2;
	v5 =	vmul.f32 v25, v28;
	v3 =	vmul.f32 v3, v6;
	_ =	sdelay $0x1  }
0xf6: {  	v2 =	vadd.f32 v5, v2;
	v5 =	vmul.f32 v27, v32;
	v6 =	vmul.f32 v3, v4;
	_ =	sdelay $0x1  }
0xf7: {  	v2 =	vadd.f32 v5, v2;
	v5 =	vmul.f32 v38, v33;
	v6 =	vmul.f32 v6, v3;
	_ =	sdelay $0x1  }
0xf8: {  	v2 =	vadd.f32 v5, v2;
	v5 =	vmul.f32 v40, v35;
	v6 =	vsub.f32 $1.500000000e+00, v6;
	_ =	sdelay $0x1  }
0xf9: {  	v2 =	vadd.f32 v5, v2;
	v5 =	vmul.f32 v42, v34;
	v3 =	vmul.f32 v6, v3;
	_ =	sdelay $0x1  }
0xfa: {  	v2 =	vadd.f32 v5, v2;
	v5 =	vmul.f32 v43, v36;
	v4 =	vmul.f32 v3, v4;
	_ =	sdelay $0x1  }
0xfb: {  	v2 =	vadd.f32 v5, v2;
	v5 =	vmul.f32 v39, v37;
	v4 =	vmul.f32 v4, v3;
	_ =	sdelay $0x1  }
0xfc: {  	v1 =	vmul.f32 v41, v1;
	v2 =	vadd.f32 v5, v2;
	v4 =	vsub.f32 $1.500000000e+00, v4;
	_ =	sdelay $0x1  }
.Ltmp0:
0xfd: {  	v1 =	vadd.f32 v1, v2;
	v2 =	vmul.f32 v4, v3;
	(pc) =	sbr.rel @p0 .LBB2_2-.Ltmp0, $4  }
0xfe: {  	v3 =	vmov s25  }
0xff: {  	v3 =	vshll.u32 v3, $0x7;
	v4 =	vmul.f32 v2, v1  }
0x100: {  	v1 =	vor.u32 v0, v3  }
0x101: {  	s25 =	sadd.s32 $0x10, s25;
	v2 =	vor.u32 $0x1, v1;
	v3 =	vadd.f32 v4, v4  }
0x102: {  	_ = 	snop  }
0x103: {  	v3 =	vadd.f32 $3.000000000e+00, v3  }
0x104: {  	s24 =	sadd.s32 $0x10, s24  }
0x105: {  	v4 =	vor.u32 $0x2, v1;
	[tilespmem:s24+$0x0] =	vst v3  }
0x106: {  	v3 =	vld.idx.msk [tilespmem:v2+s13+$0x0], $0xffff  }
0x107: {  	v5 =	vor.u32 $0x3, v1;
	v2 =	vld.idx.msk [tilespmem:v2+s12+$0x0], $0xffff  }
0x108: {  	v6 =	vld.idx.msk [tilespmem:v1+s13+$0x0], $0xffff  }
0x109: {  	v8 =	vor.u32 $0x4, v1;
	v7 =	vld.idx.msk [tilespmem:v1+s12+$0x0], $0xffff  }
0x10a: {  	v9 =	vld.idx.msk [tilespmem:v4+s13+$0x0], $0xffff  }
0x10b: {  	v10 =	vor.u32 $0x5, v1;
	v4 =	vld.idx.msk [tilespmem:v4+s12+$0x0], $0xffff  }
0x10c: {  	v11 =	vld.idx.msk [tilespmem:v5+s13+$0x0], $0xffff  }
0x10d: {  	v12 =	vor.u32 $0x6, v1;
	v5 =	vld.idx.msk [tilespmem:v5+s12+$0x0], $0xffff;
	v13 =	vmul.f32 v2, v2;
	v14 =	vmul.f32 v3, v3  }
0x10e: {  	v15 =	vld.idx.msk [tilespmem:v8+s13+$0x0], $0xffff;
	v16 =	vmul.f32 v7, v7;
	v17 =	vmul.f32 v6, v6  }
0x10f: {  	v18 =	vor.u32 $0x7, v1;
	v8 =	vld.idx.msk [tilespmem:v8+s12+$0x0], $0xffff;
	v19 =	vmul.f32 v9, v9  }
0x110: {  	v20 =	vld.idx.msk [tilespmem:v10+s13+$0x0], $0xffff;
	v32 =	vmul.f32 v4, v4;
	v13 =	vadd.f32 v13, v16;
	v14 =	vadd.f32 v14, v17  }
0x111: {  	v33 =	vor.u32 $0x8, v1;
	v10 =	vld.idx.msk [tilespmem:v10+s12+$0x0], $0xffff;
	v21 =	vmul.f32 v11, v11  }
0x112: {  	v22 =	vld.idx.msk [tilespmem:v12+s13+$0x0], $0xffff;
	v34 =	vmul.f32 v5, v5;
	v13 =	vadd.f32 v32, v13;
	v14 =	vadd.f32 v19, v14  }
0x113: {  	v35 =	vor.u32 $0x9, v1;
	v12 =	vld.idx.msk [tilespmem:v12+s12+$0x0], $0xffff;
	v23 =	vmul.f32 v15, v15  }
0x114: {  	v24 =	vld.idx.msk [tilespmem:v18+s13+$0x0], $0xffff;
	v36 =	vmul.f32 v8, v8;
	v13 =	vadd.f32 v34, v13;
	v14 =	vadd.f32 v21, v14  }
0x115: {  	v37 =	vor.u32 $0xA, v1;
	v18 =	vld.idx.msk [tilespmem:v18+s12+$0x0], $0xffff;
	v25 =	vmul.f32 v20, v20  }
0x116: {  	v26 =	vld.idx.msk [tilespmem:v33+s13+$0x0], $0xffff;
	v38 =	vmul.f32 v10, v10;
	v13 =	vadd.f32 v36, v13;
	v14 =	vadd.f32 v23, v14  }
0x117: {  	v39 =	vor.u32 $0xB, v1;
	v27 =	vmul.f32 v22, v22;
	v17 =	vld.idx.msk [tilespmem:v33+s12+$0x0], $0xffff  }
0x118: {  	v28 =	vld.idx.msk [tilespmem:v35+s13+$0x0], $0xffff;
	v40 =	vmul.f32 v12, v12;
	v13 =	vadd.f32 v38, v13;
	v14 =	vadd.f32 v25, v14  }
0x119: {  	v41 =	vor.u32 $0xC, v1;
	v29 =	vmul.f32 v24, v24;
	v19 =	vld.idx.msk [tilespmem:v35+s12+$0x0], $0xffff  }
0x11a: {  	v30 =	vld.idx.msk [tilespmem:v37+s13+$0x0], $0xffff;
	v42 =	vmul.f32 v18, v18;
	v13 =	vadd.f32 v40, v13;
	v14 =	vadd.f32 v27, v14  }
0x11b: {  	v43 =	vor.u32 $0xD, v1;
	v31 =	vmul.f32 v26, v26;
	v21 =	vld.idx.msk [tilespmem:v37+s12+$0x0], $0xffff  }
0x11c: {  	v32 =	vld.idx.msk [tilespmem:v39+s13+$0x0], $0xffff;
	v44 =	vmul.f32 v17, v17;
	v13 =	vadd.f32 v42, v13;
	v14 =	vadd.f32 v29, v14  }
0x11d: {  	v45 =	vor.u32 $0xE, v1;
	v33 =	vmul.f32 v28, v28;
	v23 =	vld.idx.msk [tilespmem:v39+s12+$0x0], $0xffff  }
0x11e: {  	v34 =	vld.idx.msk [tilespmem:v41+s13+$0x0], $0xffff;
	v46 =	vmul.f32 v19, v19;
	v13 =	vadd.f32 v44, v13;
	v14 =	vadd.f32 v31, v14  }
0x11f: {  	v47 =	vor.u32 $0xF, v1;
	v35 =	vmul.f32 v30, v30;
	v25 =	vld.idx.msk [tilespmem:v41+s12+$0x0], $0xffff  }
0x120: {  	v36 =	vld.idx.msk [tilespmem:v43+s13+$0x0], $0xffff;
	v48 =	vmul.f32 v21, v21;
	v13 =	vadd.f32 v46, v13;
	v14 =	vadd.f32 v33, v14  }
0x121: {  	v49 =	vor.u32 $0x10, v1;
	v37 =	vmul.f32 v32, v32;
	v27 =	vld.idx.msk [tilespmem:v43+s12+$0x0], $0xffff  }
0x122: {  	v38 =	vld.idx.msk [tilespmem:v45+s13+$0x0], $0xffff;
	v50 =	vmul.f32 v23, v23;
	v13 =	vadd.f32 v48, v13;
	v14 =	vadd.f32 v35, v14  }
0x123: {  	v51 =	vor.u32 $0x11, v1;
	v39 =	vmul.f32 v34, v34;
	v29 =	vld.idx.msk [tilespmem:v45+s12+$0x0], $0xffff  }
0x124: {  	v40 =	vld.idx.msk [tilespmem:v47+s13+$0x0], $0xffff;
	v52 =	vmul.f32 v25, v25;
	v13 =	vadd.f32 v50, v13;
	v14 =	vadd.f32 v37, v14  }
0x125: {  	v53 =	vor.u32 $0x12, v1;
	v41 =	vmul.f32 v36, v36;
	v31 =	vld.idx.msk [tilespmem:v47+s12+$0x0], $0xffff  }
0x126: {  	v42 =	vld.idx.msk [tilespmem:v49+s13+$0x0], $0xffff;
	v54 =	vmul.f32 v27, v27;
	v13 =	vadd.f32 v52, v13;
	v14 =	vadd.f32 v39, v14  }
0x127: {  	v1 =	vor.u32 $0x13, v1;
	v6 =	vmul.f32 v6, v7;
	v55 =	vmul.f32 v38, v38;
	v33 =	vld.idx.msk [tilespmem:v49+s12+$0x0], $0xffff  }
0x128: {  	v43 =	vld.idx.msk [tilespmem:v51+s13+$0x0], $0xffff;
	v56 =	vmul.f32 v29, v29;
	v13 =	vadd.f32 v54, v13;
	v14 =	vadd.f32 v41, v14  }
0x129: {  	v2 =	vmul.f32 v3, v2;
	v6 =	vadd.f32 $0.0e+00, v6;
	v57 =	vmul.f32 v40, v40;
	v35 =	vld.idx.msk [tilespmem:v51+s12+$0x0], $0xffff  }
0x12a: {  	v58 =	vld.idx.msk [tilespmem:v53+s13+$0x0], $0xffff;
	v59 =	vmul.f32 v31, v31;
	v13 =	vadd.f32 v56, v13;
	v14 =	vadd.f32 v55, v14  }
0x12b: {  	v4 =	vmul.f32 v9, v4;
	v2 =	vadd.f32 v2, v6;
	v3 =	vmul.f32 v42, v42;
	v37 =	vld.idx.msk [tilespmem:v53+s12+$0x0], $0xffff  }
0x12c: {  	v60 =	vld.idx.msk [tilespmem:v1+s13+$0x0], $0xffff;
	v61 =	vmul.f32 v33, v33;
	v13 =	vadd.f32 v59, v13;
	v7 =	vadd.f32 v57, v14  }
0x12d: {  	v1 =	vld.idx.msk [tilespmem:v1+s12+$0x0], $0xffff;
	v2 =	vadd.f32 v4, v2;
	v4 =	vmul.f32 v11, v5;
	v62 =	vmul.f32 v43, v43  }
0x12e: {  	v63 =	vadd.f32 v61, v13;
	v3 =	vadd.f32 v3, v7;
	v13 =	vmul.f32 v35, v35  }
0x12f: {  	v5 =	vmul.f32 v58, v58;
	v2 =	vadd.f32 v4, v2;
	v4 =	vmul.f32 v15, v8  }
0x130: {  	v14 =	vmul.f32 v37, v37;
	v7 =	vadd.f32 v13, v63;
	v3 =	vadd.f32 v62, v3  }
0x131: {  	v16 =	vmul.f32 v60, v60;
	v2 =	vadd.f32 v4, v2;
	v4 =	vmul.f32 v20, v10  }
0x132: {  	v6 =	vadd.f32 v14, v7;
	v3 =	vadd.f32 v5, v3;
	v5 =	vmul.f32 v1, v1  }
0x133: {  	v2 =	vadd.f32 v4, v2;
	v4 =	vmul.f32 v22, v12  }
0x134: {  	v5 =	vadd.f32 v5, v6;
	v3 =	vadd.f32 v16, v3  }
0x135: {  	v2 =	vadd.f32 v4, v2  }
0x136: {  	v4 =	vmul.f32 v24, v18;
	v5 =	vmax.f32 v5, $1.000000020e-16;
	v3 =	vmax.f32 v3, $1.000000020e-16  }
0x137: {  	v3 =	vmul.f32 v3, v5  }
0x138: {  	v2 =	vadd.f32 v4, v2  }
0x139: {  	v5 =	vmul.f32 v26, v17;
	v4 =	vshra.s32 v3, $0x1;
	v3 =	vmul.f32 $5.000000000e-01, v3  }
0x13a: {  	v4 =	vsub.s32 $0x5F3759DF, v4  }
0x13b: {  	v2 =	vadd.f32 v5, v2;
	v5 =	vmul.f32 v28, v19;
	v24 =	vmul.f32 v4, v3;
	_ =	sdelay $0x1  }
0x13c: {  	v2 =	vadd.f32 v5, v2;
	v5 =	vmul.f32 v30, v21;
	v6 =	vmul.f32 v4, v24;
	_ =	sdelay $0x1  }
0x13d: {  	v2 =	vadd.f32 v5, v2;
	v5 =	vmul.f32 v32, v23;
	v6 =	vsub.f32 $1.500000000e+00, v6;
	_ =	sdelay $0x1  }
0x13e: {  	v2 =	vadd.f32 v5, v2;
	v5 =	vmul.f32 v34, v25;
	v4 =	vmul.f32 v4, v6;
	_ =	sdelay $0x1  }
0x13f: {  	v2 =	vadd.f32 v5, v2;
	v5 =	vmul.f32 v36, v27;
	v6 =	vmul.f32 v4, v3;
	_ =	sdelay $0x1  }
0x140: {  	v2 =	vadd.f32 v5, v2;
	v5 =	vmul.f32 v38, v29;
	v6 =	vmul.f32 v6, v4;
	_ =	sdelay $0x1  }
0x141: {  	v2 =	vadd.f32 v5, v2;
	v5 =	vmul.f32 v40, v31;
	v6 =	vsub.f32 $1.500000000e+00, v6;
	_ =	sdelay $0x1  }
0x142: {  	v2 =	vadd.f32 v5, v2;
	v5 =	vmul.f32 v42, v33;
	v4 =	vmul.f32 v6, v4;
	_ =	sdelay $0x1  }
0x143: {  	v2 =	vadd.f32 v5, v2;
	v5 =	vmul.f32 v43, v35;
	v3 =	vmul.f32 v4, v3;
	_ =	sdelay $0x1  }
0x144: {  	v2 =	vadd.f32 v5, v2;
	v5 =	vmul.f32 v58, v37;
	v3 =	vmul.f32 v3, v4;
	_ =	sdelay $0x1  }
0x145: {  	v1 =	vmul.f32 v60, v1;
	v2 =	vadd.f32 v5, v2;
	v3 =	vsub.f32 $1.500000000e+00, v3;
	_ =	sdelay $0x1  }
0x146: {  	v1 =	vadd.f32 v1, v2;
	v2 =	vmul.f32 v3, v4;
	_ =	sdelay $0x1  }
0x147: {  	v1 =	vmul.f32 v2, v1;
	_ =	sdelay $0x1  }
0x148: {  	v1 =	vadd.f32 v1, v1;
	_ =	sdelay $0x1  }
0x149: {  	v1 =	vadd.f32 $3.000000000e+00, v1  }
0x14a: {  	s24 =	sadd.s32 $0x10, s24  }
0x14b: {  	[tilespmem:s24+$0x0] =	vst v1  }
0x14c: {  	[tilespmem:s12], [sflag:$0x1] =	stream.indirect.gather [hbm4b:s3+s11], $0x80, s18, s11, $0xb8;
	[tilespmem:$0x10600] =	vst v63  }
0x14d: {  	_ = 	snop  }
0x14e: {  	[tilespmem:s13], [sflag:$0x1] =	stream.indirect.gather [hbm4b:s4+s11], $0x80, s19, s11, $0xb8;
	[tilespmem:$0x10600] =	vst v63  }
0x14f: {  	_ = 	snop  }
0x150: {  	[tilespmem:s14], [sflag:$0x1] =	stream.indirect.gather [hbm4b:s3+s11], $0x80, s20, s11, $0xb8;
	[tilespmem:$0x10600] =	vst v63  }
0x151: {  	_ = 	snop  }
0x152: {  	[tilespmem:s16], [sflag:$0x1] =	stream.indirect.gather [hbm4b:s4+s11], $0x80, s21, s11, $0xb8;
	[tilespmem:$0x10600] =	vst v63  }
0x153: {  	_ =	swait.ge [sflag:s17], $0x4000  }
0x154: {  	[sflag:s17] =	ssyncset.done $0x0  }
0x155: {  	[sflag:s17] =	ssyncadd.s32 $0xFFFFC000  }
0x156: {  	s24 =	simm.s32 $0x0;
	_ =	swait.ge [sflag:s17], $0x4000  }
0x157: {  	v1 =	vmov s24;
	[sflag:s17] =	ssyncset.done $0x0  }
0x158: {  	v1 =	vshll.u32 v1, $0x7;
	[sflag:s17] =	ssyncadd.s32 $0xFFFFC000  }
0x159: {  	v1 =	vor.u32 v0, v1;
	_ =	swait.ge [sflag:s17], $0x4000  }
0x15a: {  	v2 =	vor.u32 $0x1, v1;
	[sflag:s17] =	ssyncset.done $0x0  }
0x15b: {  	[sflag:s17] =	ssyncadd.s32 $0xFFFFC000  }
0x15c: {  	_ =	swait.ge [sflag:s17], $0x4000  }
0x15d: {  	[sflag:s17] =	ssyncset.done $0x0  }
0x15e: {  	v3 =	vor.u32 $0x2, v1;
	[sflag:s17] =	ssyncadd.s32 $0xFFFFC000  }
0x15f: {  	v4 =	vld.idx.msk [tilespmem:v2+s13+$0x0], $0xffff  }
0x160: {  	v5 =	vor.u32 $0x3, v1;
	v2 =	vld.idx.msk [tilespmem:v2+s12+$0x0], $0xffff  }
0x161: {  	v6 =	vld.idx.msk [tilespmem:v1+s13+$0x0], $0xffff  }
0x162: {  	v25 =	vor.u32 $0x4, v1;
	v7 =	vld.idx.msk [tilespmem:v1+s12+$0x0], $0xffff  }
0x163: {  	v9 =	vld.idx.msk [tilespmem:v3+s13+$0x0], $0xffff  }
0x164: {  	v26 =	vor.u32 $0x5, v1;
	v3 =	vld.idx.msk [tilespmem:v3+s12+$0x0], $0xffff  }
0x165: {  	v11 =	vld.idx.msk [tilespmem:v5+s13+$0x0], $0xffff  }
0x166: {  	v27 =	vor.u32 $0x6, v1;
	v5 =	vld.idx.msk [tilespmem:v5+s12+$0x0], $0xffff;
	v28 =	vmul.f32 v2, v2;
	v29 =	vmul.f32 v4, v4  }
0x167: {  	v15 =	vld.idx.msk [tilespmem:v25+s13+$0x0], $0xffff;
	v30 =	vmul.f32 v7, v7;
	v31 =	vmul.f32 v6, v6  }
0x168: {  	v32 =	vor.u32 $0x7, v1;
	v8 =	vld.idx.msk [tilespmem:v25+s12+$0x0], $0xffff;
	v33 =	vmul.f32 v9, v9  }
0x169: {  	v20 =	vld.idx.msk [tilespmem:v26+s13+$0x0], $0xffff;
	v34 =	vmul.f32 v3, v3;
	v13 =	vadd.f32 v28, v30;
	v14 =	vadd.f32 v29, v31  }
0x16a: {  	v35 =	vor.u32 $0x8, v1;
	v10 =	vld.idx.msk [tilespmem:v26+s12+$0x0], $0xffff;
	v36 =	vmul.f32 v11, v11  }
0x16b: {  	v22 =	vld.idx.msk [tilespmem:v27+s13+$0x0], $0xffff;
	v37 =	vmul.f32 v5, v5;
	v13 =	vadd.f32 v34, v13;
	v14 =	vadd.f32 v33, v14  }
0x16c: {  	v38 =	vor.u32 $0x9, v1;
	v12 =	vld.idx.msk [tilespmem:v27+s12+$0x0], $0xffff;
	v39 =	vmul.f32 v15, v15  }
0x16d: {  	v24 =	vld.idx.msk [tilespmem:v32+s13+$0x0], $0xffff;
	v40 =	vmul.f32 v8, v8;
	v13 =	vadd.f32 v37, v13;
	v14 =	vadd.f32 v36, v14  }
0x16e: {  	v41 =	vor.u32 $0xA, v1;
	v18 =	vld.idx.msk [tilespmem:v32+s12+$0x0], $0xffff;
	v42 =	vmul.f32 v20, v20  }
0x16f: {  	v26 =	vld.idx.msk [tilespmem:v35+s13+$0x0], $0xffff;
	v43 =	vmul.f32 v10, v10;
	v13 =	vadd.f32 v40, v13;
	v14 =	vadd.f32 v39, v14  }
0x170: {  	v44 =	vor.u32 $0xB, v1;
	v17 =	vld.idx.msk [tilespmem:v35+s12+$0x0], $0xffff;
	v45 =	vmul.f32 v22, v22  }
0x171: {  	v19 =	vld.idx.msk [tilespmem:v38+s12+$0x0], $0xffff;
	v46 =	vmul.f32 v12, v12;
	v13 =	vadd.f32 v43, v13;
	v14 =	vadd.f32 v42, v14  }
0x172: {  	v47 =	vor.u32 $0xC, v1;
	v48 =	vmul.f32 v24, v24;
	v28 =	vld.idx.msk [tilespmem:v38+s13+$0x0], $0xffff  }
0x173: {  	v21 =	vld.idx.msk [tilespmem:v41+s12+$0x0], $0xffff;
	v49 =	vmul.f32 v18, v18;
	v13 =	vadd.f32 v46, v13;
	v14 =	vadd.f32 v45, v14  }
0x174: {  	v50 =	vor.u32 $0xD, v1;
	v51 =	vmul.f32 v26, v26;
	v30 =	vld.idx.msk [tilespmem:v41+s13+$0x0], $0xffff  }
0x175: {  	v32 =	vld.idx.msk [tilespmem:v44+s13+$0x0], $0xffff;
	v52 =	vmul.f32 v17, v17;
	v13 =	vadd.f32 v49, v13;
	v14 =	vadd.f32 v48, v14  }
0x176: {  	v53 =	vor.u32 $0xE, v1;
	v23 =	vld.idx.msk [tilespmem:v44+s12+$0x0], $0xffff;
	v55 =	vmul.f32 v19, v19  }
0x177: {  	v34 =	vld.idx.msk [tilespmem:v47+s13+$0x0], $0xffff;
	v54 =	vmul.f32 v28, v28;
	v13 =	vadd.f32 v52, v13;
	v14 =	vadd.f32 v51, v14  }
0x178: {  	v56 =	vor.u32 $0xF, v1;
	v25 =	vld.idx.msk [tilespmem:v47+s12+$0x0], $0xffff;
	v58 =	vmul.f32 v21, v21  }
0x179: {  	v36 =	vld.idx.msk [tilespmem:v50+s13+$0x0], $0xffff;
	v57 =	vmul.f32 v30, v30;
	v13 =	vadd.f32 v55, v13;
	v14 =	vadd.f32 v54, v14  }
0x17a: {  	v59 =	vor.u32 $0x10, v1;
	v27 =	vld.idx.msk [tilespmem:v50+s12+$0x0], $0xffff;
	v60 =	vmul.f32 v32, v32  }
0x17b: {  	v61 =	vmul.f32 v23, v23;
	v38 =	vld.idx.msk [tilespmem:v53+s13+$0x0], $0xffff;
	v13 =	vadd.f32 v58, v13;
	v14 =	vadd.f32 v57, v14  }
0x17c: {  	v62 =	vor.u32 $0x11, v1;
	v29 =	vld.idx.msk [tilespmem:v53+s12+$0x0], $0xffff;
	v63 =	vmul.f32 v34, v34  }
0x17d: {  	v40 =	vld.idx.msk [tilespmem:v56+s13+$0x0], $0xffff;
	v45 =	vmul.f32 v25, v25;
	v13 =	vadd.f32 v61, v13;
	v14 =	vadd.f32 v60, v14  }
0x17e: {  	v31 =	vld.idx.msk [tilespmem:v56+s12+$0x0], $0xffff;
	v47 =	vmul.f32 v36, v36;
	v46 =	vor.u32 $0x12, v1  }
0x17f: {  	v48 =	vld.idx.msk [tilespmem:v59+s13+$0x0], $0xffff;
	v49 =	vmul.f32 v27, v27;
	v13 =	vadd.f32 v45, v13;
	v14 =	vadd.f32 v63, v14  }
0x180: {  	v6 =	vmul.f32 v6, v7;
	v33 =	vld.idx.msk [tilespmem:v59+s12+$0x0], $0xffff;
	v50 =	vmul.f32 v38, v38;
	v1 =	vor.u32 $0x13, v1  }
0x181: {  	v51 =	vld.idx.msk [tilespmem:v62+s13+$0x0], $0xffff;
	v52 =	vmul.f32 v29, v29;
	v13 =	vadd.f32 v49, v13;
	v14 =	vadd.f32 v47, v14  }
0x182: {  	v35 =	vld.idx.msk [tilespmem:v62+s12+$0x0], $0xffff;
	v2 =	vmul.f32 v4, v2;
	v6 =	vadd.f32 $0.0e+00, v6;
	v53 =	vmul.f32 v40, v40  }
0x183: {  	v37 =	vld.idx.msk [tilespmem:v46+s12+$0x0], $0xffff;
	v55 =	vmul.f32 v31, v31;
	v13 =	vadd.f32 v52, v13;
	v14 =	vadd.f32 v50, v14  }
0x184: {  	v3 =	vmul.f32 v9, v3;
	v2 =	vadd.f32 v2, v6;
	v54 =	vld.idx.msk [tilespmem:v46+s13+$0x0], $0xffff;
	v4 =	vmul.f32 v48, v48  }
0x185: {  	v56 =	vld.idx.msk [tilespmem:v1+s13+$0x0], $0xffff;
	v57 =	vmul.f32 v33, v33;
	v13 =	vadd.f32 v55, v13;
	v7 =	vadd.f32 v53, v14  }
0x186: {  	v2 =	vadd.f32 v3, v2;
	v3 =	vmul.f32 v11, v5;
	v1 =	vld.idx.msk [tilespmem:v1+s12+$0x0], $0xffff;
	v58 =	vmul.f32 v51, v51  }
0x187: {  	v60 =	vmul.f32 v35, v35;
	v59 =	vadd.f32 v57, v13;
	v4 =	vadd.f32 v4, v7  }
0x188: {  	v2 =	vadd.f32 v3, v2;
	v3 =	vmul.f32 v15, v8;
	v61 =	vmul.f32 v37, v37  }
0x189: {  	v5 =	vmul.f32 v54, v54;
	v7 =	vadd.f32 v60, v59;
	v4 =	vadd.f32 v58, v4  }
0x18a: {  	v2 =	vadd.f32 v3, v2;
	v3 =	vmul.f32 v20, v10;
	v62 =	vmul.f32 v56, v56  }
0x18b: {  	v6 =	vadd.f32 v61, v7;
	v4 =	vadd.f32 v5, v4;
	v5 =	vmul.f32 v1, v1  }
0x18c: {  	v2 =	vadd.f32 v3, v2;
	v3 =	vmul.f32 v22, v12  }
0x18d: {  	v5 =	vadd.f32 v5, v6;
	v4 =	vadd.f32 v62, v4  }
0x18e: {  	v2 =	vadd.f32 v3, v2  }
0x18f: {  	v3 =	vmul.f32 v24, v18;
	v5 =	vmax.f32 v5, $1.000000020e-16;
	v4 =	vmax.f32 v4, $1.000000020e-16  }
0x190: {  	v4 =	vmul.f32 v4, v5  }
0x191: {  	v2 =	vadd.f32 v3, v2  }
0x192: {  	v5 =	vmul.f32 v26, v17;
	v3 =	vshra.s32 v4, $0x1;
	v4 =	vmul.f32 $5.000000000e-01, v4  }
0x193: {  	v3 =	vsub.s32 $0x5F3759DF, v3  }
0x194: {  	v2 =	vadd.f32 v5, v2;
	v5 =	vmul.f32 v28, v19;
	v63 =	vmul.f32 v3, v4;
	_ =	sdelay $0x1  }
0x195: {  	v2 =	vadd.f32 v5, v2;
	v5 =	vmul.f32 v30, v21;
	v6 =	vmul.f32 v3, v63;
	_ =	sdelay $0x1  }
0x196: {  	v2 =	vadd.f32 v5, v2;
	v5 =	vmul.f32 v32, v23;
	v6 =	vsub.f32 $1.500000000e+00, v6;
	_ =	sdelay $0x1  }
0x197: {  	v2 =	vadd.f32 v5, v2;
	v5 =	vmul.f32 v34, v25;
	v3 =	vmul.f32 v3, v6;
	_ =	sdelay $0x1  }
0x198: {  	v2 =	vadd.f32 v5, v2;
	v5 =	vmul.f32 v36, v27;
	v6 =	vmul.f32 v3, v4;
	_ =	sdelay $0x1  }
0x199: {  	v2 =	vadd.f32 v5, v2;
	v5 =	vmul.f32 v38, v29;
	v6 =	vmul.f32 v6, v3;
	_ =	sdelay $0x1  }
0x19a: {  	v2 =	vadd.f32 v5, v2;
	v5 =	vmul.f32 v40, v31;
	v6 =	vsub.f32 $1.500000000e+00, v6;
	_ =	sdelay $0x1  }
0x19b: {  	v2 =	vadd.f32 v5, v2;
	v5 =	vmul.f32 v48, v33;
	v3 =	vmul.f32 v6, v3;
	_ =	sdelay $0x1  }
0x19c: {  	v2 =	vadd.f32 v5, v2;
	v5 =	vmul.f32 v51, v35;
	v4 =	vmul.f32 v3, v4;
	_ =	sdelay $0x1  }
0x19d: {  	v2 =	vadd.f32 v5, v2;
	v5 =	vmul.f32 v54, v37;
	v4 =	vmul.f32 v4, v3;
	_ =	sdelay $0x1  }
0x19e: {  	v1 =	vmul.f32 v56, v1;
	v2 =	vadd.f32 v5, v2;
	v4 =	vsub.f32 $1.500000000e+00, v4;
	_ =	sdelay $0x1  }
0x19f: {  	s25 =	simm.s32 $0x10;
	v1 =	vadd.f32 v1, v2;
	v2 =	vmul.f32 v4, v3  }
0x1a0: {  	v3 =	vmov s25  }
0x1a1: {  	v3 =	vshll.u32 v3, $0x7;
	v4 =	vmul.f32 v2, v1  }
0x1a2: {  	v1 =	vor.u32 v0, v3  }
0x1a3: {  	s26 =	simm.s32 $0x20;
	v2 =	vor.u32 $0x1, v1;
	v3 =	vadd.f32 v4, v4  }
.LBB2_4:
0x1a4: {  	p0 =	sne.s32 s26, $0xF0  }
0x1a5: {  	v3 =	vadd.f32 $3.000000000e+00, v3  }
0x1a6: {  	s28 =	sand.u32 $0xF0, s24;
	s24 =	smov.u32 s25;
	s25 =	smov.u32 s26  }
0x1a7: {  	v4 =	vor.u32 $0x2, v1;
	[tilespmem:s28+$0x10500] =	vst v3  }
0x1a8: {  	v7 =	vld.idx.msk [tilespmem:v2+s13+$0x0], $0xffff  }
0x1a9: {  	v10 =	vld.idx.msk [tilespmem:v2+s12+$0x0], $0xffff;
	v2 =	vor.u32 $0x3, v1  }
0x1aa: {  	v21 =	vld.idx.msk [tilespmem:v1+s13+$0x0], $0xffff  }
0x1ab: {  	v3 =	vor.u32 $0x4, v1;
	v23 =	vld.idx.msk [tilespmem:v1+s12+$0x0], $0xffff  }
0x1ac: {  	v8 =	vld.idx.msk [tilespmem:v4+s13+$0x0], $0xffff  }
0x1ad: {  	v6 =	vor.u32 $0x5, v1;
	v11 =	vld.idx.msk [tilespmem:v4+s12+$0x0], $0xffff  }
0x1ae: {  	v4 =	vld.idx.msk [tilespmem:v2+s13+$0x0], $0xffff  }
0x1af: {  	v13 =	vor.u32 $0x6, v1;
	v5 =	vld.idx.msk [tilespmem:v2+s12+$0x0], $0xffff  }
0x1b0: {  	v14 =	vmul.f32 v7, v7;
	v12 =	vmul.f32 v10, v10;
	v2 =	vld.idx.msk [tilespmem:v3+s13+$0x0], $0xffff  }
0x1b1: {  	v17 =	vor.u32 $0x7, v1;
	v16 =	vmul.f32 v21, v21;
	v15 =	vmul.f32 v23, v23;
	v9 =	vld.idx.msk [tilespmem:v3+s12+$0x0], $0xffff  }
0x1b2: {  	v19 =	vor.u32 $0x8, v1;
	v18 =	vmul.f32 v8, v8;
	v3 =	vld.idx.msk [tilespmem:v6+s13+$0x0], $0xffff  }
0x1b3: {  	v14 =	vadd.f32 v14, v16;
	v15 =	vadd.f32 v12, v15;
	v16 =	vmul.f32 v11, v11;
	v12 =	vld.idx.msk [tilespmem:v6+s12+$0x0], $0xffff  }
0x1b4: {  	v22 =	vor.u32 $0x9, v1;
	v20 =	vmul.f32 v4, v4;
	v6 =	vld.idx.msk [tilespmem:v13+s13+$0x0], $0xffff  }
0x1b5: {  	v15 =	vadd.f32 v16, v15;
	v16 =	vadd.f32 v18, v14;
	v18 =	vmul.f32 v5, v5;
	v14 =	vld.idx.msk [tilespmem:v13+s12+$0x0], $0xffff  }
0x1b6: {  	v25 =	vor.u32 $0xA, v1;
	v24 =	vmul.f32 v2, v2;
	v13 =	vld.idx.msk [tilespmem:v17+s13+$0x0], $0xffff  }
0x1b7: {  	v18 =	vadd.f32 v18, v15;
	v20 =	vadd.f32 v20, v16;
	v26 =	vmul.f32 v9, v9;
	v15 =	vld.idx.msk [tilespmem:v17+s12+$0x0], $0xffff  }
0x1b8: {  	v28 =	vor.u32 $0xB, v1;
	v27 =	vmul.f32 v3, v3;
	v16 =	vld.idx.msk [tilespmem:v19+s13+$0x0], $0xffff  }
0x1b9: {  	v18 =	vadd.f32 v26, v18;
	v20 =	vadd.f32 v24, v20;
	v24 =	vmul.f32 v12, v12;
	v19 =	vld.idx.msk [tilespmem:v19+s12+$0x0], $0xffff  }
0x1ba: {  	v29 =	vor.u32 $0xC, v1;
	v26 =	vmul.f32 v6, v6;
	v17 =	vld.idx.msk [tilespmem:v22+s13+$0x0], $0xffff  }
0x1bb: {  	v24 =	vadd.f32 v24, v18;
	v27 =	vadd.f32 v27, v20;
	v30 =	vmul.f32 v14, v14;
	v20 =	vld.idx.msk [tilespmem:v22+s12+$0x0], $0xffff  }
0x1bc: {  	v32 =	vor.u32 $0xD, v1;
	v31 =	vmul.f32 v13, v13;
	v18 =	vld.idx.msk [tilespmem:v25+s13+$0x0], $0xffff  }
0x1bd: {  	v30 =	vadd.f32 v30, v24;
	v26 =	vadd.f32 v26, v27;
	v27 =	vmul.f32 v15, v15;
	v24 =	vld.idx.msk [tilespmem:v25+s12+$0x0], $0xffff  }
0x1be: {  	v34 =	vor.u32 $0xE, v1;
	v33 =	vmul.f32 v16, v16;
	v22 =	vld.idx.msk [tilespmem:v28+s13+$0x0], $0xffff  }
0x1bf: {  	v27 =	vadd.f32 v27, v30;
	v30 =	vadd.f32 v31, v26;
	v31 =	vmul.f32 v19, v19;
	v26 =	vld.idx.msk [tilespmem:v28+s12+$0x0], $0xffff  }
0x1c0: {  	v36 =	vor.u32 $0xF, v1;
	v35 =	vmul.f32 v17, v17;
	v25 =	vld.idx.msk [tilespmem:v29+s13+$0x0], $0xffff  }
0x1c1: {  	v31 =	vadd.f32 v31, v27;
	v30 =	vadd.f32 v33, v30;
	v33 =	vmul.f32 v20, v20;
	v28 =	vld.idx.msk [tilespmem:v29+s12+$0x0], $0xffff  }
0x1c2: {  	v37 =	vor.u32 $0x10, v1;
	v29 =	vmul.f32 v18, v18;
	v27 =	vld.idx.msk [tilespmem:v32+s13+$0x0], $0xffff  }
0x1c3: {  	v31 =	vadd.f32 v33, v31;
	v30 =	vadd.f32 v35, v30;
	v33 =	vmul.f32 v24, v24;
	v32 =	vld.idx.msk [tilespmem:v32+s12+$0x0], $0xffff  }
0x1c4: {  	v39 =	vor.u32 $0x11, v1;
	v35 =	vmul.f32 v22, v22;
	v38 =	vld.idx.msk [tilespmem:v34+s13+$0x0], $0xffff  }
0x1c5: {  	v31 =	vadd.f32 v33, v31;
	v29 =	vadd.f32 v29, v30;
	v30 =	vmul.f32 v26, v26;
	v33 =	vld.idx.msk [tilespmem:v34+s12+$0x0], $0xffff  }
0x1c6: {  	v41 =	vor.u32 $0x12, v1;
	v34 =	vmul.f32 v25, v25;
	v40 =	vld.idx.msk [tilespmem:v36+s13+$0x0], $0xffff  }
0x1c7: {  	v30 =	vadd.f32 v30, v31;
	v29 =	vadd.f32 v35, v29;
	v31 =	vmul.f32 v28, v28;
	v35 =	vld.idx.msk [tilespmem:v36+s12+$0x0], $0xffff  }
0x1c8: {  	v1 =	vor.u32 $0x13, v1;
	v36 =	vmul.f32 v27, v27;
	v42 =	vld.idx.msk [tilespmem:v37+s13+$0x0], $0xffff  }
0x1c9: {  	v30 =	vadd.f32 v31, v30;
	v29 =	vadd.f32 v34, v29;
	v31 =	vmul.f32 v32, v32;
	v34 =	vld.idx.msk [tilespmem:v37+s12+$0x0], $0xffff  }
0x1ca: {  	v37 =	vmul.f32 v38, v38;
	v43 =	vld.idx.msk [tilespmem:v39+s13+$0x0], $0xffff  }
0x1cb: {  	v30 =	vadd.f32 v31, v30;
	v29 =	vadd.f32 v36, v29;
	v31 =	vmul.f32 v33, v33;
	v36 =	vld.idx.msk [tilespmem:v39+s12+$0x0], $0xffff  }
0x1cc: {  	v21 =	vmul.f32 v21, v23;
	v23 =	vmul.f32 v40, v40;
	v39 =	vld.idx.msk [tilespmem:v41+s13+$0x0], $0xffff  }
0x1cd: {  	v30 =	vadd.f32 v31, v30;
	v29 =	vadd.f32 v37, v29;
	v31 =	vmul.f32 v35, v35;
	v37 =	vld.idx.msk [tilespmem:v41+s12+$0x0], $0xffff  }
0x1ce: {  	v7 =	vmul.f32 v7, v10;
	v21 =	vadd.f32 $0.0e+00, v21;
	v10 =	vmul.f32 v42, v42;
	v41 =	vld.idx.msk [tilespmem:v1+s13+$0x0], $0xffff  }
0x1cf: {  	v30 =	vadd.f32 v31, v30;
	v23 =	vadd.f32 v23, v29;
	v29 =	vmul.f32 v34, v34;
	v1 =	vld.idx.msk [tilespmem:v1+s12+$0x0], $0xffff  }
0x1d0: {  	v8 =	vmul.f32 v8, v11;
	v7 =	vadd.f32 v7, v21;
	v11 =	vmul.f32 v43, v43  }
0x1d1: {  	v21 =	vadd.f32 v29, v30;
	v10 =	vadd.f32 v10, v23;
	v23 =	vmul.f32 v36, v36  }
0x1d2: {  	v4 =	vmul.f32 v4, v5;
	v7 =	vadd.f32 v8, v7;
	v5 =	vmul.f32 v39, v39  }
0x1d3: {  	v8 =	vadd.f32 v23, v21;
	v10 =	vadd.f32 v11, v10;
	v11 =	vmul.f32 v37, v37  }
0x1d4: {  	v2 =	vmul.f32 v2, v9;
	v4 =	vadd.f32 v4, v7;
	v7 =	vmul.f32 v41, v41  }
0x1d5: {  	v8 =	vadd.f32 v11, v8;
	v5 =	vadd.f32 v5, v10;
	v9 =	vmul.f32 v1, v1  }
0x1d6: {  	v3 =	vmul.f32 v3, v12;
	v2 =	vadd.f32 v2, v4  }
0x1d7: {  	v4 =	vadd.f32 v9, v8;
	v5 =	vadd.f32 v7, v5  }
0x1d8: {  	v2 =	vadd.f32 v3, v2;
	v3 =	vmul.f32 v6, v14  }
0x1d9: {  	v4 =	vmax.f32 v4, $1.000000020e-16;
	v5 =	vmax.f32 v5, $1.000000020e-16  }
0x1da: {  	v2 =	vadd.f32 v3, v2;
	v3 =	vmul.f32 v13, v15;
	v4 =	vmul.f32 v5, v4  }
0x1db: {  	v5 =	vmul.f32 v16, v19  }
0x1dc: {  	v2 =	vadd.f32 v3, v2;
	v3 =	vshra.s32 v4, $0x1;
	v4 =	vmul.f32 $5.000000000e-01, v4  }
0x1dd: {  	v3 =	vsub.s32 $0x5F3759DF, v3  }
0x1de: {  	v2 =	vadd.f32 v5, v2;
	v5 =	vmul.f32 v17, v20;
	v6 =	vmul.f32 v3, v4;
	_ =	sdelay $0x1  }
0x1df: {  	v2 =	vadd.f32 v5, v2;
	v5 =	vmul.f32 v18, v24;
	v6 =	vmul.f32 v3, v6;
	_ =	sdelay $0x1  }
0x1e0: {  	v2 =	vadd.f32 v5, v2;
	v5 =	vmul.f32 v22, v26;
	v6 =	vsub.f32 $1.500000000e+00, v6;
	_ =	sdelay $0x1  }
0x1e1: {  	v2 =	vadd.f32 v5, v2;
	v5 =	vmul.f32 v25, v28;
	v3 =	vmul.f32 v3, v6;
	_ =	sdelay $0x1  }
0x1e2: {  	v2 =	vadd.f32 v5, v2;
	v5 =	vmul.f32 v27, v32;
	v6 =	vmul.f32 v3, v4;
	_ =	sdelay $0x1  }
0x1e3: {  	v2 =	vadd.f32 v5, v2;
	v5 =	vmul.f32 v38, v33;
	v6 =	vmul.f32 v6, v3;
	_ =	sdelay $0x1  }
0x1e4: {  	v2 =	vadd.f32 v5, v2;
	v5 =	vmul.f32 v40, v35;
	v6 =	vsub.f32 $1.500000000e+00, v6;
	_ =	sdelay $0x1  }
0x1e5: {  	v2 =	vadd.f32 v5, v2;
	v5 =	vmul.f32 v42, v34;
	v3 =	vmul.f32 v6, v3;
	_ =	sdelay $0x1  }
0x1e6: {  	v2 =	vadd.f32 v5, v2;
	v5 =	vmul.f32 v43, v36;
	v4 =	vmul.f32 v3, v4;
	_ =	sdelay $0x1  }
0x1e7: {  	v2 =	vadd.f32 v5, v2;
	v5 =	vmul.f32 v39, v37;
	v4 =	vmul.f32 v4, v3;
	_ =	sdelay $0x1  }
0x1e8: {  	v1 =	vmul.f32 v41, v1;
	v2 =	vadd.f32 v5, v2;
	v4 =	vsub.f32 $1.500000000e+00, v4;
	_ =	sdelay $0x1  }
.Ltmp1:
0x1e9: {  	v1 =	vadd.f32 v1, v2;
	v2 =	vmul.f32 v4, v3;
	(pc) =	sbr.rel @p0 .LBB2_4-.Ltmp1, $4  }
0x1ea: {  	v3 =	vmov s26  }
0x1eb: {  	v3 =	vshll.u32 v3, $0x7;
	v4 =	vmul.f32 v2, v1  }
0x1ec: {  	v1 =	vor.u32 v0, v3  }
0x1ed: {  	s26 =	sadd.s32 $0x10, s26;
	v2 =	vor.u32 $0x1, v1;
	v3 =	vadd.f32 v4, v4  }
0x1ee: {  	_ = 	snop  }
0x1ef: {  	v3 =	vadd.f32 $3.000000000e+00, v3  }
0x1f0: {  	s24 =	sand.u32 $0xF0, s24  }
0x1f1: {  	v4 =	vor.u32 $0x2, v1;
	[tilespmem:s24+$0x10500] =	vst v3  }
0x1f2: {  	v3 =	vld.idx.msk [tilespmem:v2+s13+$0x0], $0xffff  }
0x1f3: {  	v5 =	vor.u32 $0x3, v1;
	v2 =	vld.idx.msk [tilespmem:v2+s12+$0x0], $0xffff  }
0x1f4: {  	v6 =	vld.idx.msk [tilespmem:v1+s13+$0x0], $0xffff  }
0x1f5: {  	v8 =	vor.u32 $0x4, v1;
	v7 =	vld.idx.msk [tilespmem:v1+s12+$0x0], $0xffff  }
0x1f6: {  	v9 =	vld.idx.msk [tilespmem:v4+s13+$0x0], $0xffff  }
0x1f7: {  	v10 =	vor.u32 $0x5, v1;
	v4 =	vld.idx.msk [tilespmem:v4+s12+$0x0], $0xffff  }
0x1f8: {  	v11 =	vld.idx.msk [tilespmem:v5+s13+$0x0], $0xffff  }
0x1f9: {  	v12 =	vor.u32 $0x6, v1;
	v5 =	vld.idx.msk [tilespmem:v5+s12+$0x0], $0xffff;
	v13 =	vmul.f32 v2, v2;
	v14 =	vmul.f32 v3, v3  }
0x1fa: {  	v15 =	vld.idx.msk [tilespmem:v8+s13+$0x0], $0xffff;
	v16 =	vmul.f32 v7, v7;
	v17 =	vmul.f32 v6, v6  }
0x1fb: {  	v18 =	vor.u32 $0x7, v1;
	v8 =	vld.idx.msk [tilespmem:v8+s12+$0x0], $0xffff;
	v19 =	vmul.f32 v9, v9  }
0x1fc: {  	v20 =	vld.idx.msk [tilespmem:v10+s13+$0x0], $0xffff;
	v34 =	vmul.f32 v4, v4;
	v13 =	vadd.f32 v13, v16;
	v14 =	vadd.f32 v14, v17  }
0x1fd: {  	v35 =	vor.u32 $0x8, v1;
	v10 =	vld.idx.msk [tilespmem:v10+s12+$0x0], $0xffff;
	v21 =	vmul.f32 v11, v11  }
0x1fe: {  	v22 =	vld.idx.msk [tilespmem:v12+s13+$0x0], $0xffff;
	v36 =	vmul.f32 v5, v5;
	v13 =	vadd.f32 v34, v13;
	v14 =	vadd.f32 v19, v14  }
0x1ff: {  	v37 =	vor.u32 $0x9, v1;
	v12 =	vld.idx.msk [tilespmem:v12+s12+$0x0], $0xffff;
	v23 =	vmul.f32 v15, v15  }
0x200: {  	v24 =	vld.idx.msk [tilespmem:v18+s13+$0x0], $0xffff;
	v38 =	vmul.f32 v8, v8;
	v13 =	vadd.f32 v36, v13;
	v14 =	vadd.f32 v21, v14  }
0x201: {  	v39 =	vor.u32 $0xA, v1;
	v18 =	vld.idx.msk [tilespmem:v18+s12+$0x0], $0xffff;
	v25 =	vmul.f32 v20, v20  }
0x202: {  	v26 =	vld.idx.msk [tilespmem:v35+s13+$0x0], $0xffff;
	v40 =	vmul.f32 v10, v10;
	v13 =	vadd.f32 v38, v13;
	v14 =	vadd.f32 v23, v14  }
0x203: {  	v41 =	vor.u32 $0xB, v1;
	v27 =	vmul.f32 v22, v22;
	v17 =	vld.idx.msk [tilespmem:v35+s12+$0x0], $0xffff  }
0x204: {  	v28 =	vld.idx.msk [tilespmem:v37+s13+$0x0], $0xffff;
	v42 =	vmul.f32 v12, v12;
	v13 =	vadd.f32 v40, v13;
	v14 =	vadd.f32 v25, v14  }
0x205: {  	v43 =	vor.u32 $0xC, v1;
	v29 =	vmul.f32 v24, v24;
	v19 =	vld.idx.msk [tilespmem:v37+s12+$0x0], $0xffff  }
0x206: {  	v30 =	vld.idx.msk [tilespmem:v39+s13+$0x0], $0xffff;
	v44 =	vmul.f32 v18, v18;
	v13 =	vadd.f32 v42, v13;
	v14 =	vadd.f32 v27, v14  }
0x207: {  	v45 =	vor.u32 $0xD, v1;
	v31 =	vmul.f32 v26, v26;
	v21 =	vld.idx.msk [tilespmem:v39+s12+$0x0], $0xffff  }
0x208: {  	v32 =	vld.idx.msk [tilespmem:v41+s13+$0x0], $0xffff;
	v46 =	vmul.f32 v17, v17;
	v13 =	vadd.f32 v44, v13;
	v14 =	vadd.f32 v29, v14  }
0x209: {  	v47 =	vor.u32 $0xE, v1;
	v33 =	vmul.f32 v28, v28;
	v23 =	vld.idx.msk [tilespmem:v41+s12+$0x0], $0xffff  }
0x20a: {  	v34 =	vld.idx.msk [tilespmem:v43+s13+$0x0], $0xffff;
	v48 =	vmul.f32 v19, v19;
	v13 =	vadd.f32 v46, v13;
	v14 =	vadd.f32 v31, v14  }
0x20b: {  	v49 =	vor.u32 $0xF, v1;
	v35 =	vmul.f32 v30, v30;
	v25 =	vld.idx.msk [tilespmem:v43+s12+$0x0], $0xffff  }
0x20c: {  	v36 =	vld.idx.msk [tilespmem:v45+s13+$0x0], $0xffff;
	v50 =	vmul.f32 v21, v21;
	v13 =	vadd.f32 v48, v13;
	v14 =	vadd.f32 v33, v14  }
0x20d: {  	v51 =	vor.u32 $0x10, v1;
	v37 =	vmul.f32 v32, v32;
	v27 =	vld.idx.msk [tilespmem:v45+s12+$0x0], $0xffff  }
0x20e: {  	v38 =	vld.idx.msk [tilespmem:v47+s13+$0x0], $0xffff;
	v52 =	vmul.f32 v23, v23;
	v13 =	vadd.f32 v50, v13;
	v14 =	vadd.f32 v35, v14  }
0x20f: {  	v53 =	vor.u32 $0x11, v1;
	v39 =	vmul.f32 v34, v34;
	v29 =	vld.idx.msk [tilespmem:v47+s12+$0x0], $0xffff  }
0x210: {  	v40 =	vld.idx.msk [tilespmem:v49+s13+$0x0], $0xffff;
	v54 =	vmul.f32 v25, v25;
	v13 =	vadd.f32 v52, v13;
	v14 =	vadd.f32 v37, v14  }
0x211: {  	v55 =	vor.u32 $0x12, v1;
	v41 =	vmul.f32 v36, v36;
	v31 =	vld.idx.msk [tilespmem:v49+s12+$0x0], $0xffff  }
0x212: {  	v42 =	vld.idx.msk [tilespmem:v51+s13+$0x0], $0xffff;
	v56 =	vmul.f32 v27, v27;
	v13 =	vadd.f32 v54, v13;
	v14 =	vadd.f32 v39, v14  }
0x213: {  	v1 =	vor.u32 $0x13, v1;
	v57 =	vmul.f32 v38, v38;
	v33 =	vld.idx.msk [tilespmem:v51+s12+$0x0], $0xffff  }
0x214: {  	v43 =	vld.idx.msk [tilespmem:v53+s13+$0x0], $0xffff;
	v58 =	vmul.f32 v29, v29;
	v13 =	vadd.f32 v56, v13;
	v14 =	vadd.f32 v41, v14  }
0x215: {  	v6 =	vmul.f32 v6, v7;
	v59 =	vmul.f32 v40, v40;
	v35 =	vld.idx.msk [tilespmem:v53+s12+$0x0], $0xffff  }
0x216: {  	v60 =	vmul.f32 v31, v31;
	v37 =	vld.idx.msk [tilespmem:v55+s12+$0x0], $0xffff;
	v13 =	vadd.f32 v58, v13;
	v14 =	vadd.f32 v57, v14  }
0x217: {  	v2 =	vmul.f32 v3, v2;
	v6 =	vadd.f32 $0.0e+00, v6;
	v3 =	vmul.f32 v42, v42;
	v41 =	vld.idx.msk [tilespmem:v55+s13+$0x0], $0xffff  }
0x218: {  	v61 =	vmul.f32 v33, v33;
	v39 =	vld.idx.msk [tilespmem:v1+s13+$0x0], $0xffff;
	v13 =	vadd.f32 v60, v13;
	v7 =	vadd.f32 v59, v14  }
0x219: {  	v4 =	vmul.f32 v9, v4;
	v2 =	vadd.f32 v2, v6;
	v62 =	vmul.f32 v43, v43;
	v1 =	vld.idx.msk [tilespmem:v1+s12+$0x0], $0xffff  }
0x21a: {  	v63 =	vadd.f32 v61, v13;
	v3 =	vadd.f32 v3, v7;
	v13 =	vmul.f32 v35, v35  }
0x21b: {  	v2 =	vadd.f32 v4, v2;
	v44 =	vmul.f32 v37, v37;
	v14 =	vmul.f32 v11, v5  }
0x21c: {  	v16 =	vmul.f32 v41, v41;
	v7 =	vadd.f32 v13, v63;
	v3 =	vadd.f32 v62, v3  }
0x21d: {  	v45 =	vmul.f32 v15, v8;
	v46 =	vmul.f32 v39, v39;
	v2 =	vadd.f32 v14, v2  }
0x21e: {  	v47 =	vmul.f32 v1, v1;
	v6 =	vadd.f32 v44, v7;
	v3 =	vadd.f32 v16, v3  }
0x21f: {  	v48 =	vmul.f32 v20, v10;
	v2 =	vadd.f32 v45, v2  }
0x220: {  	v5 =	vadd.f32 v47, v6;
	v3 =	vadd.f32 v46, v3  }
0x221: {  	v49 =	vmul.f32 v22, v12;
	v2 =	vadd.f32 v48, v2  }
0x222: {  	v5 =	vmax.f32 v5, $1.000000020e-16;
	v3 =	vmax.f32 v3, $1.000000020e-16  }
0x223: {  	v50 =	vmul.f32 v24, v18;
	v2 =	vadd.f32 v49, v2;
	v3 =	vmul.f32 v3, v5  }
0x224: {  	v51 =	vmul.f32 v26, v17  }
0x225: {  	v2 =	vadd.f32 v50, v2;
	v52 =	vshra.s32 v3, $0x1;
	v3 =	vmul.f32 $5.000000000e-01, v3  }
0x226: {  	v4 =	vsub.s32 $0x5F3759DF, v52  }
0x227: {  	v53 =	vmul.f32 v28, v19;
	v2 =	vadd.f32 v51, v2;
	v54 =	vmul.f32 v4, v3;
	_ =	sdelay $0x1  }
0x228: {  	v55 =	vmul.f32 v30, v21;
	v2 =	vadd.f32 v53, v2;
	v6 =	vmul.f32 v4, v54;
	_ =	sdelay $0x1  }
0x229: {  	v56 =	vmul.f32 v32, v23;
	v2 =	vadd.f32 v55, v2;
	v6 =	vsub.f32 $1.500000000e+00, v6;
	_ =	sdelay $0x1  }
0x22a: {  	v57 =	vmul.f32 v34, v25;
	v2 =	vadd.f32 v56, v2;
	v4 =	vmul.f32 v4, v6;
	_ =	sdelay $0x1  }
0x22b: {  	v58 =	vmul.f32 v36, v27;
	v2 =	vadd.f32 v57, v2;
	v6 =	vmul.f32 v4, v3;
	_ =	sdelay $0x1  }
0x22c: {  	v59 =	vmul.f32 v38, v29;
	v2 =	vadd.f32 v58, v2;
	v6 =	vmul.f32 v6, v4;
	_ =	sdelay $0x1  }
0x22d: {  	v60 =	vmul.f32 v40, v31;
	v2 =	vadd.f32 v59, v2;
	v6 =	vsub.f32 $1.500000000e+00, v6;
	_ =	sdelay $0x1  }
0x22e: {  	v61 =	vmul.f32 v42, v33;
	v2 =	vadd.f32 v60, v2;
	v4 =	vmul.f32 v6, v4;
	_ =	sdelay $0x1  }
0x22f: {  	v62 =	vmul.f32 v43, v35;
	v2 =	vadd.f32 v61, v2;
	v3 =	vmul.f32 v4, v3;
	_ =	sdelay $0x1  }
0x230: {  	v63 =	vmul.f32 v41, v37;
	v2 =	vadd.f32 v62, v2;
	v3 =	vmul.f32 v3, v4;
	_ =	sdelay $0x1  }
0x231: {  	v1 =	vmul.f32 v39, v1;
	v2 =	vadd.f32 v63, v2;
	v3 =	vsub.f32 $1.500000000e+00, v3;
	_ =	sdelay $0x1  }
0x232: {  	v1 =	vadd.f32 v1, v2;
	v2 =	vmul.f32 v3, v4;
	_ =	sdelay $0x1  }
0x233: {  	v1 =	vmul.f32 v2, v1;
	_ =	sdelay $0x1  }
0x234: {  	v1 =	vadd.f32 v1, v1;
	_ =	sdelay $0x1  }
0x235: {  	s23 =	sadd.s32 $0x1, s23;
	v1 =	vadd.f32 $3.000000000e+00, v1  }
0x236: {  	s31 =	sand.u32 $0xF0, s25;
	p0 =	sne.s32 s23, s8  }
.Ltmp2:
0x237: {  	[tilespmem:s31+$0x10500] =	vst v1;
	(pc) =	sbr.rel @p0 .LBB2_1-.Ltmp2, $4  }
0x238: {  	[hbm4b:s7+s2] =	stream.linear.scatter [tilespmem:s22], [sflag:$0x2], $0x200, $0x38;
	[tilespmem:$0x10600] =	vst v63  }
0x239: {  	_ =	swait.ge [sflag:s9], $0x200  }
0x23a: {  	[sflag:s9] =	ssyncset.done $0x0  }
0x23b: {  	[sflag:s9] =	ssyncadd.s32 $0xFFFFFE00  }
0x23c: {  	_ =	sfence.sel $0x180000  }
0x23d: {  	[bflag:$0x0] =	sbarrier.arrive $0xFFFF  }
0x23e: {  	p0 =	sne.s32 s1, $0x0;
	_ =	strace $0x90000047  }
0x23f: {  	s0 =	sadd.s32 @!p0 $0x100000, s0;
	[bflag:$0x2] =	sbarrier.arrive $0xFFFF  }
0x240: {  	[sflag:s0] =	ssyncadd.tile.s32 @!p0 $0x1;
	_ =	shalt  }
.Lfunc_end2:
_tile_overlayer_lowered:
.L_overlay_start_2:
0x241: {  	(tag) =	ssettag $0x2  }
0x242: {  	s0 =	rddreg [dreg:$0x0];
	s2 =	stileid.u32  }
0x243: {  	s1 =	rddreg [dreg:$0x1];
	p0 =	sne.s32 s2, $0x0  }
0x244: {  	s3 =	rddreg [dreg:$0x2];
	[bflag:$0x3] =	sbarrier.arrive $0xFFFF;
	s2 =	simm.s32 @!p0 $0x1C02  }
0x245: {  	[timem:s3], [sflag:s2] =	dma.local @!p0 [hbm:s0], s1  }
0x246: {  	s0 =	simm.s32 @!p0 $0x2  }
0x247: {  	_ =	swait.ge @!p0 [sflag:s0], s1  }
0x248: {  	s1 =	ssub.s32 @!p0 $0x0, s1;
	[sflag:s0] =	ssyncset.done @!p0 $0x0  }
0x249: {  	[sflag:s0] =	ssyncadd.s32 @!p0 s1  }
0x24a: {  	[bflag:$0x3] =	sbarrier.arrive $0xFFFF  }
0x24b: {  	_ =	shalt  }

</sc_bundles>
